<compile_context>
chip_gen: v7x
topology: tpu7x:2x2x1
jax: 0.10.2.dev20260603
libtpu: 0.0.44.dev20260713+nightly
codegen_flags: <defaults>
</compile_context>

<pallas_src>
import functools

import jax
import jax.numpy as jnp
from jax import lax
from jax.experimental import pallas as pl
from jax.experimental.pallas import tpu as pltpu
from jax.experimental.pallas import tpu_sc as plsc

N = 10000
E = 320000
D_IN = 128
D_HID = 128
D_OUT = 40
DD = 16
D2 = 48
NC = 2
NS = 16
TILES = NC * NS
EPT = E // TILES
ROWS_PER_SUB = 624
ROWS_TAIL = N - NS * ROWS_PER_SUB
ROWS_TAIL_BASE = NS * ROWS_PER_SUB

_HIGH = jax.lax.Precision.DEFAULT


def _dot(a, b):
    return jax.lax.dot_general(a, b, (((1,), (0,)), ((), ())),
                               precision=_HIGH,
                               preferred_element_type=jnp.float32)



TC2_BLK = 1000


def _tc2_body(aggx_ref, degp_ref, x_ref, b1_ref, g_ref, be_ref, mu_ref,
              var_ref, w1l_ref, w1r_ref, w2l_ref, w2r_ref, t2p_ref, hr2_ref):
    axs = aggx_ref[0] + aggx_ref[1]
    deg = degp_ref[0, :, 0] + degp_ref[1, :, 0]
    inv = 1.0 / jnp.maximum(deg, 1.0)
    x = x_ref[...]
    pre = _dot(axs * inv[:, None], w1l_ref[...]) + _dot(x, w1r_ref[...]) \
        + b1_ref[...]
    h = (pre - mu_ref[...]) * jax.lax.rsqrt(var_ref[...] + 1e-5) \
        * g_ref[...] + be_ref[...]
    h = jnp.maximum(h, 0.0)
    t2p_ref[...] = _dot(h, w2l_ref[...])
    hr2 = _dot(h, w2r_ref[...])
    cols = jax.lax.broadcasted_iota(jnp.int32, (TC2_BLK, D2), 1)
    hr2_ref[...] = jnp.where(cols == D_OUT, deg[:, None], hr2)


TC3_BLK = 2000


def _tc3_body(agg2_ref, hr2_ref, b2_ref, out_ref):
    s = agg2_ref[0] + agg2_ref[1]
    hr2 = hr2_ref[...]
    deg = hr2[:, D_OUT]
    inv = 1.0 / jnp.maximum(deg, 1.0)
    z = s[:, :D_OUT] * inv[:, None] + hr2[:, :D_OUT] + b2_ref[...]
    m = jnp.max(z, axis=1, keepdims=True)
    lse = jnp.log(jnp.sum(jnp.exp(z - m), axis=1, keepdims=True)) + m
    out_ref[...] = z - lse



def _make_sc_agg(d, k, nbuf, with_deg):
    assert EPT % k == 0
    nch = EPT // k
    nfull = (nch // nbuf) * nbuf
    rem = nch - nfull
    mesh = plsc.VectorSubcoreMesh(core_axis_name="c", subcore_axis_name="s",
                                  num_cores=NC, num_subcores=NS)
    out_type = [jax.ShapeDtypeStruct((NC, N, d), jnp.float32)]
    scratch = [
        pltpu.VMEM((nch, k), jnp.int32),
        pltpu.VMEM((nch, k), jnp.int32),
        [pltpu.VMEM((k, d), jnp.float32) for _ in range(nbuf)],
        pltpu.VMEM_SHARED((N, d), jnp.float32),
        [pltpu.SemaphoreType.DMA for _ in range(nbuf)],
        [pltpu.SemaphoreType.DMA for _ in range(nbuf)],
    ]
    if with_deg:
        out_type.append(jax.ShapeDtypeStruct((NC, N, DD), jnp.float32))
        scratch += [
            pltpu.VMEM((k, DD), jnp.float32),
            pltpu.VMEM_SHARED((N, DD), jnp.float32),
            [pltpu.SemaphoreType.DMA for _ in range(nbuf)],
        ]

    def body(refs):
        if with_deg:
            (table_hbm, ei_hbm, zeros_hbm, zerosd_hbm, ones_hbm, out_hbm,
             outd_hbm, src_v, dst_v, rows, acc, gsems, ssems, ones_v, dacc,
             dsems) = refs
        else:
            (table_hbm, ei_hbm, zeros_hbm, out_hbm,
             src_v, dst_v, rows, acc, gsems, ssems) = refs
        cid = lax.axis_index("c")
        sid = lax.axis_index("s")
        pltpu.sync_copy(ei_hbm.at[0, cid, sid], src_v)
        pltpu.sync_copy(ei_hbm.at[1, cid, sid], dst_v)
        if with_deg:
            pltpu.sync_copy(ones_hbm, ones_v)
        for b in range(nbuf):
            pltpu.async_copy(table_hbm.at[src_v.at[b]], rows[b], gsems[b])
        base = pl.multiple_of(sid * ROWS_PER_SUB, 8)
        pltpu.sync_copy(zeros_hbm.at[pl.ds(base, ROWS_PER_SUB)],
                        acc.at[pl.ds(base, ROWS_PER_SUB)])
        if with_deg:
            pltpu.sync_copy(zerosd_hbm.at[pl.ds(base, ROWS_PER_SUB)],
                            dacc.at[pl.ds(base, ROWS_PER_SUB)])

        @pl.when(sid == 0)
        def _():
            pltpu.sync_copy(zeros_hbm.at[pl.ds(ROWS_TAIL_BASE, ROWS_TAIL)],
                            acc.at[pl.ds(ROWS_TAIL_BASE, ROWS_TAIL)])
            if with_deg:
                pltpu.sync_copy(
                    zerosd_hbm.at[pl.ds(ROWS_TAIL_BASE, ROWS_TAIL)],
                    dacc.at[pl.ds(ROWS_TAIL_BASE, ROWS_TAIL)])

        plsc.subcore_barrier()

        def step(j, b):
            pltpu.make_async_copy(table_hbm.at[src_v.at[j]],
                                  rows[b], gsems[b]).wait()
            pltpu.async_copy(rows[b], acc.at[dst_v.at[j]], ssems[b],
                             add=True)
            if with_deg:
                pltpu.async_copy(ones_v, dacc.at[dst_v.at[j]], dsems[b],
                                 add=True)
            nxt = j + nbuf

            @pl.when(nxt < nch)
            def _():
                pltpu.make_async_copy(rows[b], acc.at[dst_v.at[j]],
                                      ssems[b]).wait()
                if with_deg:
                    pltpu.make_async_copy(ones_v, dacc.at[dst_v.at[j]],
                                          dsems[b]).wait()
                pltpu.async_copy(table_hbm.at[src_v.at[nxt]],
                                 rows[b], gsems[b])

        @pl.loop(0, nfull, step=nbuf)
        def _(g):
            for b in range(nbuf):
                step(g + b, b)

        for b in range(rem):
            step(nfull + b, b)

        for b in range(nbuf):
            pltpu.make_async_copy(rows[b], acc.at[dst_v.at[b]],
                                  ssems[b]).wait()
            if with_deg:
                pltpu.make_async_copy(ones_v, dacc.at[dst_v.at[b]],
                                      dsems[b]).wait()
        plsc.subcore_barrier()
        pltpu.sync_copy(acc.at[pl.ds(base, ROWS_PER_SUB)],
                        out_hbm.at[cid, pl.ds(base, ROWS_PER_SUB)])
        if with_deg:
            pltpu.sync_copy(dacc.at[pl.ds(base, ROWS_PER_SUB)],
                            outd_hbm.at[cid, pl.ds(base, ROWS_PER_SUB)])

        @pl.when(sid == 0)
        def _():
            pltpu.sync_copy(acc.at[pl.ds(ROWS_TAIL_BASE, ROWS_TAIL)],
                            out_hbm.at[cid, pl.ds(ROWS_TAIL_BASE, ROWS_TAIL)])
            if with_deg:
                pltpu.sync_copy(
                    dacc.at[pl.ds(ROWS_TAIL_BASE, ROWS_TAIL)],
                    outd_hbm.at[cid, pl.ds(ROWS_TAIL_BASE, ROWS_TAIL)])

    @functools.partial(
        pl.kernel,
        out_type=out_type if with_deg else out_type[0],
        mesh=mesh,
        scratch_types=scratch,
        compiler_params=pltpu.CompilerParams(use_tc_tiling_on_sc=False),
    )
    def sc_agg(*refs):
        body(refs)

    return sc_agg


_sc_agg1 = _make_sc_agg(D_IN, 40, 3, True)
_sc_agg2 = _make_sc_agg(D2, 100, 5, False)


def kernel(x, edge_index, W1_l, b1, W1_r, bn_gamma, bn_beta, bn_mean, bn_var,
           W2_l, b2, W2_r):
    ei1 = edge_index.reshape(2, NC, NS, EPT // 40, 40)
    ei2 = edge_index.reshape(2, NC, NS, EPT // 100, 100)
    zeros1 = jnp.zeros((N, D_IN), jnp.float32)
    zerosd = jnp.zeros((N, DD), jnp.float32)
    ones1 = jnp.ones((40, DD), jnp.float32)
    zeros2 = jnp.zeros((N, D2), jnp.float32)
    w2l_pad = jnp.pad(W2_l, ((0, 0), (0, D2 - D_OUT)))
    w2r_pad = jnp.pad(W2_r, ((0, 0), (0, D2 - D_OUT)))

    aggx, degp = _sc_agg1(x, ei1, zeros1, zerosd, ones1)

    param_spec = pl.BlockSpec((1, D_HID), lambda i: (0, 0))
    w_spec = pl.BlockSpec((D_HID, D_HID), lambda i: (0, 0))
    w2_spec = pl.BlockSpec((D_HID, D2), lambda i: (0, 0))
    t2p, hr2 = pl.pallas_call(
        _tc2_body,
        grid=(N // TC2_BLK,),
        in_specs=[
            pl.BlockSpec((NC, TC2_BLK, D_IN), lambda i: (0, i, 0)),
            pl.BlockSpec((NC, TC2_BLK, DD), lambda i: (0, i, 0)),
            pl.BlockSpec((TC2_BLK, D_IN), lambda i: (i, 0)),
            param_spec, param_spec, param_spec, param_spec, param_spec,
            w_spec, w_spec, w2_spec, w2_spec,
        ],
        out_specs=[
            pl.BlockSpec((TC2_BLK, D2), lambda i: (i, 0)),
            pl.BlockSpec((TC2_BLK, D2), lambda i: (i, 0)),
        ],
        out_shape=[jax.ShapeDtypeStruct((N, D2), jnp.float32),
                   jax.ShapeDtypeStruct((N, D2), jnp.float32)],
    )(aggx, degp, x, b1.reshape(1, -1), bn_gamma.reshape(1, -1),
      bn_beta.reshape(1, -1), bn_mean.reshape(1, -1), bn_var.reshape(1, -1),
      W1_l, W1_r, w2l_pad, w2r_pad)

    agg2 = _sc_agg2(t2p, ei2, zeros2)

    out = pl.pallas_call(
        _tc3_body,
        grid=(N // TC3_BLK,),
        in_specs=[
            pl.BlockSpec((NC, TC3_BLK, D2), lambda i: (0, i, 0)),
            pl.BlockSpec((TC3_BLK, D2), lambda i: (i, 0)),
            pl.BlockSpec((1, D_OUT), lambda i: (0, 0)),
        ],
        out_specs=pl.BlockSpec((TC3_BLK, D_OUT), lambda i: (i, 0)),
        out_shape=jax.ShapeDtypeStruct((N, D_OUT), jnp.float32),
    )(agg2, hr2, b2.reshape(1, -1))

    return out

# --- scband reference (transcript-rebuilt; emitter-appended) ---
"""Pipeline reference for scband-graph-sage-26603027431847 (READ-ONLY COPY).

The authoritative reference and input builder live on the scoring server;
editing this copy changes nothing except your own understanding.
"""

import jax, jax.numpy as jnp
import numpy as np

N = 10000
E = 320000
D_IN = 128
D_HID = 128
D_OUT = 40


def setup_inputs(seed: int = 0) -> dict:
    key = jax.random.key(seed)
    ks = jax.random.split(key, 12)
    x = jax.random.normal(ks[0], (N, D_IN), dtype=jnp.float32)
    edge_index = jax.random.randint(ks[1], (2, E), 0, N, dtype=jnp.int32)
    s1 = 1.0 / np.sqrt(D_IN)
    s2 = 1.0 / np.sqrt(D_HID)
    return {
        'x': x,
        'edge_index': edge_index,
        'W1_l': jax.random.uniform(ks[2], (D_IN, D_HID), jnp.float32, -s1, s1),
        'b1': jax.random.uniform(ks[3], (D_HID,), jnp.float32, -s1, s1),
        'W1_r': jax.random.uniform(ks[4], (D_IN, D_HID), jnp.float32, -s1, s1),
        'bn_gamma': jnp.ones((D_HID,), jnp.float32),
        'bn_beta': jnp.zeros((D_HID,), jnp.float32),
        'bn_mean': jnp.zeros((D_HID,), jnp.float32),
        'bn_var': jnp.ones((D_HID,), jnp.float32),
        'W2_l': jax.random.uniform(ks[5], (D_HID, D_OUT), jnp.float32, -s2, s2),
        'b2': jax.random.uniform(ks[6], (D_OUT,), jnp.float32, -s2, s2),
        'W2_r': jax.random.uniform(ks[7], (D_HID, D_OUT), jnp.float32, -s2, s2),
    }


def _sage_conv(h, edge_index, W_l, b_l, W_r):
    # PyG SAGEConv (mean aggregation): out = lin_l(mean_{j in N(i)} x_j) + lin_r(x_i)
    src = edge_index[0]
    dst = edge_index[1]
    msgs = h[src]  # gather over source nodes
    agg = jax.ops.segment_sum(msgs, dst, num_segments=h.shape[0])  # scatter-add
    deg = jax.ops.segment_sum(jnp.ones((edge_index.shape[1],), h.dtype), dst, num_segments=h.shape[0])
    mean = agg / jnp.maximum(deg, 1.0)[:, None]
    return mean @ W_l + b_l + h @ W_r


def reference(x, edge_index, W1_l, b1, W1_r, bn_gamma, bn_beta, bn_mean, bn_var, W2_l, b2, W2_r):
    # Layer 1: SAGEConv -> BatchNorm1d (eval-mode running stats) -> ReLU -> dropout(eval: identity)
    h = _sage_conv(x, edge_index, W1_l, b1, W1_r)
    h = (h - bn_mean) / jnp.sqrt(bn_var + 1e-5) * bn_gamma + bn_beta
    h = jax.nn.relu(h)
    # Layer 2 (final): SAGEConv, then log_softmax over classes
    h = _sage_conv(h, edge_index, W2_l, b2, W2_r)
    return jax.nn.log_softmax(h, axis=1)

if __name__ == "__main__":
    import jax
    _d = setup_inputs()
    print(jax.jit(kernel)(*tuple(_d.values())))

</pallas_src>

<mosaic_0001>
#map = affine_map<(d0, d1) -> (0, 0)>
#map1 = affine_map<(d0, d1) -> (0, 0, 0, 0, 0)>
#map2 = affine_map<(d0, d1) -> (0, 0, 0)>
module attributes {stable_mosaic.version = 14 : i64} {
  func.func @sc_agg(%arg0: i32, %arg1: i32, %arg2: memref<10000x128xf32, #tpu.memory_space<hbm>>, %arg3: memref<2x2x16x250x40xi32, #tpu.memory_space<hbm>>, %arg4: memref<10000x128xf32, #tpu.memory_space<hbm>>, %arg5: memref<10000x16xf32, #tpu.memory_space<hbm>>, %arg6: memref<40x16xf32, #tpu.memory_space<hbm>>, %arg7: memref<2x10000x128xf32, #tpu.memory_space<hbm>>, %arg8: memref<2x10000x16xf32, #tpu.memory_space<hbm>>, %arg9: memref<250x40xi32, #tpu.memory_space<vmem>>, %arg10: memref<250x40xi32, #tpu.memory_space<vmem>>, %arg11: memref<40x128xf32, #tpu.memory_space<vmem>>, %arg12: memref<40x128xf32, #tpu.memory_space<vmem>>, %arg13: memref<40x128xf32, #tpu.memory_space<vmem>>, %arg14: memref<10000x128xf32, #tpu.memory_space<vmem_shared>>, %arg15: memref<!tpu.dma_semaphore, #tpu.memory_space<semaphore_mem>>, %arg16: memref<!tpu.dma_semaphore, #tpu.memory_space<semaphore_mem>>, %arg17: memref<!tpu.dma_semaphore, #tpu.memory_space<semaphore_mem>>, %arg18: memref<!tpu.dma_semaphore, #tpu.memory_space<semaphore_mem>>, %arg19: memref<!tpu.dma_semaphore, #tpu.memory_space<semaphore_mem>>, %arg20: memref<!tpu.dma_semaphore, #tpu.memory_space<semaphore_mem>>, %arg21: memref<40x16xf32, #tpu.memory_space<vmem>>, %arg22: memref<10000x16xf32, #tpu.memory_space<vmem_shared>>, %arg23: memref<!tpu.dma_semaphore, #tpu.memory_space<semaphore_mem>>, %arg24: memref<!tpu.dma_semaphore, #tpu.memory_space<semaphore_mem>>, %arg25: memref<!tpu.dma_semaphore, #tpu.memory_space<semaphore_mem>>) attributes {dimension_semantics = [#tpu.dimension_semantics<core_parallel>, #tpu.dimension_semantics<subcore_parallel>], iteration_bounds = array<i64: 2, 16>, scalar_prefetch = 0 : i64, scratch_operands = 17 : i64, tpu.core_type = #tpu.core_type<sc_vector_subcore>, window_params = [{transform_indices = #map}, {transform_indices = #map1}, {transform_indices = #map}, {transform_indices = #map}, {transform_indices = #map}, {transform_indices = #map2}, {transform_indices = #map2}]} {
    %run_scoped3A = arith.constant 0 : i32
    "tpu.region"() ({
      %run_scoped3A_96 = tpu.sem_alloc : memref<!tpu.dma_semaphore, #tpu.memory_space<semaphore_mem>>
      %dma_start3A_97 = arith.constant 0 : i32
      %dma_start3A_98 = arith.constant 0 : i32
      %dma_start3A_99 = tpu.memref_slice %arg3[%run_scoped3A, %arg0, %arg1, %dma_start3A_97, %dma_start3A_98] : memref<2x2x16x250x40xi32, #tpu.memory_space<hbm>> -> memref<1x1x1x250x40xi32, #tpu.memory_space<hbm>>
      %dma_start3A_100 = tpu.memref_squeeze %dma_start3A_99 : memref<1x1x1x250x40xi32, #tpu.memory_space<hbm>> -> memref<250x40xi32, #tpu.memory_space<hbm>>
      %dma_start3A_101 = arith.constant 0 : i32
      %dma_start3A_102 = arith.constant 0 : i32
      %dma_start3A_103 = tpu.memref_slice %arg3[%run_scoped3A, %arg0, %arg1, %dma_start3A_101, %dma_start3A_102] : memref<2x2x16x250x40xi32, #tpu.memory_space<hbm>> -> memref<1x1x1x250x40xi32, #tpu.memory_space<hbm>>
      %dma_start3A_104 = tpu.memref_squeeze %dma_start3A_103 : memref<1x1x1x250x40xi32, #tpu.memory_space<hbm>> -> memref<250x40xi32, #tpu.memory_space<hbm>>
      tpu.enqueue_dma source(%dma_start3A_104 : memref<250x40xi32, #tpu.memory_space<hbm>>) target(%arg9 : memref<250x40xi32, #tpu.memory_space<vmem>>) target_semaphore(%run_scoped3A_96 : memref<!tpu.dma_semaphore, #tpu.memory_space<semaphore_mem>>)
      %dma_wait3A_105 = arith.constant 0 : i32
      %dma_wait3A_106 = arith.constant 0 : i32
      %dma_wait3A_107 = tpu.memref_slice %arg3[%run_scoped3A, %arg0, %arg1, %dma_wait3A_105, %dma_wait3A_106] : memref<2x2x16x250x40xi32, #tpu.memory_space<hbm>> -> memref<1x1x1x250x40xi32, #tpu.memory_space<hbm>>
      %dma_wait3A_108 = tpu.memref_squeeze %dma_wait3A_107 : memref<1x1x1x250x40xi32, #tpu.memory_space<hbm>> -> memref<250x40xi32, #tpu.memory_space<hbm>>
      %dma_wait3A_109 = arith.constant 0 : i32
      %dma_wait3A_110 = arith.constant 0 : i32
      %dma_wait3A_111 = tpu.memref_slice %arg3[%run_scoped3A, %arg0, %arg1, %dma_wait3A_109, %dma_wait3A_110] : memref<2x2x16x250x40xi32, #tpu.memory_space<hbm>> -> memref<1x1x1x250x40xi32, #tpu.memory_space<hbm>>
      %dma_wait3A_112 = tpu.memref_squeeze %dma_wait3A_111 : memref<1x1x1x250x40xi32, #tpu.memory_space<hbm>> -> memref<250x40xi32, #tpu.memory_space<hbm>>
      tpu.wait_dma2 semaphore(%run_scoped3A_96 : memref<!tpu.dma_semaphore, #tpu.memory_space<semaphore_mem>>) src(%dma_wait3A_112 : memref<250x40xi32, #tpu.memory_space<hbm>>) dst(%arg9 : memref<250x40xi32, #tpu.memory_space<vmem>>)
      tpu.yield
    }) : () -> ()
    %run_scoped3A_0 = arith.constant 1 : i32
    "tpu.region"() ({
      %run_scoped3A_96 = tpu.sem_alloc : memref<!tpu.dma_semaphore, #tpu.memory_space<semaphore_mem>>
      %dma_start3A_97 = arith.constant 0 : i32
      %dma_start3A_98 = arith.constant 0 : i32
      %dma_start3A_99 = tpu.memref_slice %arg3[%run_scoped3A_0, %arg0, %arg1, %dma_start3A_97, %dma_start3A_98] : memref<2x2x16x250x40xi32, #tpu.memory_space<hbm>> -> memref<1x1x1x250x40xi32, #tpu.memory_space<hbm>>
      %dma_start3A_100 = tpu.memref_squeeze %dma_start3A_99 : memref<1x1x1x250x40xi32, #tpu.memory_space<hbm>> -> memref<250x40xi32, #tpu.memory_space<hbm>>
      %dma_start3A_101 = arith.constant 0 : i32
      %dma_start3A_102 = arith.constant 0 : i32
      %dma_start3A_103 = tpu.memref_slice %arg3[%run_scoped3A_0, %arg0, %arg1, %dma_start3A_101, %dma_start3A_102] : memref<2x2x16x250x40xi32, #tpu.memory_space<hbm>> -> memref<1x1x1x250x40xi32, #tpu.memory_space<hbm>>
      %dma_start3A_104 = tpu.memref_squeeze %dma_start3A_103 : memref<1x1x1x250x40xi32, #tpu.memory_space<hbm>> -> memref<250x40xi32, #tpu.memory_space<hbm>>
      tpu.enqueue_dma source(%dma_start3A_104 : memref<250x40xi32, #tpu.memory_space<hbm>>) target(%arg10 : memref<250x40xi32, #tpu.memory_space<vmem>>) target_semaphore(%run_scoped3A_96 : memref<!tpu.dma_semaphore, #tpu.memory_space<semaphore_mem>>)
      %dma_wait3A_105 = arith.constant 0 : i32
      %dma_wait3A_106 = arith.constant 0 : i32
      %dma_wait3A_107 = tpu.memref_slice %arg3[%run_scoped3A_0, %arg0, %arg1, %dma_wait3A_105, %dma_wait3A_106] : memref<2x2x16x250x40xi32, #tpu.memory_space<hbm>> -> memref<1x1x1x250x40xi32, #tpu.memory_space<hbm>>
      %dma_wait3A_108 = tpu.memref_squeeze %dma_wait3A_107 : memref<1x1x1x250x40xi32, #tpu.memory_space<hbm>> -> memref<250x40xi32, #tpu.memory_space<hbm>>
      %dma_wait3A_109 = arith.constant 0 : i32
      %dma_wait3A_110 = arith.constant 0 : i32
      %dma_wait3A_111 = tpu.memref_slice %arg3[%run_scoped3A_0, %arg0, %arg1, %dma_wait3A_109, %dma_wait3A_110] : memref<2x2x16x250x40xi32, #tpu.memory_space<hbm>> -> memref<1x1x1x250x40xi32, #tpu.memory_space<hbm>>
      %dma_wait3A_112 = tpu.memref_squeeze %dma_wait3A_111 : memref<1x1x1x250x40xi32, #tpu.memory_space<hbm>> -> memref<250x40xi32, #tpu.memory_space<hbm>>
      tpu.wait_dma2 semaphore(%run_scoped3A_96 : memref<!tpu.dma_semaphore, #tpu.memory_space<semaphore_mem>>) src(%dma_wait3A_112 : memref<250x40xi32, #tpu.memory_space<hbm>>) dst(%arg10 : memref<250x40xi32, #tpu.memory_space<vmem>>)
      tpu.yield
    }) : () -> ()
    "tpu.region"() ({
      %run_scoped3A_96 = tpu.sem_alloc : memref<!tpu.dma_semaphore, #tpu.memory_space<semaphore_mem>>
      tpu.enqueue_dma source(%arg6 : memref<40x16xf32, #tpu.memory_space<hbm>>) target(%arg21 : memref<40x16xf32, #tpu.memory_space<vmem>>) target_semaphore(%run_scoped3A_96 : memref<!tpu.dma_semaphore, #tpu.memory_space<semaphore_mem>>)
      tpu.wait_dma2 semaphore(%run_scoped3A_96 : memref<!tpu.dma_semaphore, #tpu.memory_space<semaphore_mem>>) src(%arg6 : memref<40x16xf32, #tpu.memory_space<hbm>>) dst(%arg21 : memref<40x16xf32, #tpu.memory_space<vmem>>)
      tpu.yield
    }) : () -> ()
    %dma_start3A = arith.constant 0 : i32
    %dma_start3A_1 = arith.constant 0 : i32
    %dma_start3A_2 = tpu.memref_slice %arg9[%dma_start3A, %dma_start3A_1] : memref<250x40xi32, #tpu.memory_space<vmem>> -> memref<1x40xi32, #tpu.memory_space<vmem>>
    %dma_start3A_3 = tpu.memref_squeeze %dma_start3A_2 : memref<1x40xi32, #tpu.memory_space<vmem>> -> memref<40xi32, #tpu.memory_space<vmem>>
    %dma_start3A_4 = arith.constant 0 : i32
    %dma_start3A_5 = arith.constant 0 : i32
    %dma_start3A_6 = tpu.memref_slice %arg2[%dma_start3A_4, %dma_start3A_5] : memref<10000x128xf32, #tpu.memory_space<hbm>> -> memref<10000x128xf32, #tpu.memory_space<hbm>>
    tpu.enqueue_indirect_dma source(%dma_start3A_6 : memref<10000x128xf32, #tpu.memory_space<hbm>>) target(%arg11 : memref<40x128xf32, #tpu.memory_space<vmem>>) offsets(%dma_start3A_3 : memref<40xi32, #tpu.memory_space<vmem>>) semaphore(%arg15 : memref<!tpu.dma_semaphore, #tpu.memory_space<semaphore_mem>>)
    %dma_start3A_7 = arith.constant 1 : i32
    %dma_start3A_8 = arith.constant 0 : i32
    %dma_start3A_9 = tpu.memref_slice %arg9[%dma_start3A_7, %dma_start3A_8] : memref<250x40xi32, #tpu.memory_space<vmem>> -> memref<1x40xi32, #tpu.memory_space<vmem>>
    %dma_start3A_10 = tpu.memref_squeeze %dma_start3A_9 : memref<1x40xi32, #tpu.memory_space<vmem>> -> memref<40xi32, #tpu.memory_space<vmem>>
    %dma_start3A_11 = arith.constant 0 : i32
    %dma_start3A_12 = arith.constant 0 : i32
    %dma_start3A_13 = tpu.memref_slice %arg2[%dma_start3A_11, %dma_start3A_12] : memref<10000x128xf32, #tpu.memory_space<hbm>> -> memref<10000x128xf32, #tpu.memory_space<hbm>>
    tpu.enqueue_indirect_dma source(%dma_start3A_13 : memref<10000x128xf32, #tpu.memory_space<hbm>>) target(%arg12 : memref<40x128xf32, #tpu.memory_space<vmem>>) offsets(%dma_start3A_10 : memref<40xi32, #tpu.memory_space<vmem>>) semaphore(%arg16 : memref<!tpu.dma_semaphore, #tpu.memory_space<semaphore_mem>>)
    %dma_start3A_14 = arith.constant 2 : i32
    %dma_start3A_15 = arith.constant 0 : i32
    %dma_start3A_16 = tpu.memref_slice %arg9[%dma_start3A_14, %dma_start3A_15] : memref<250x40xi32, #tpu.memory_space<vmem>> -> memref<1x40xi32, #tpu.memory_space<vmem>>
    %dma_start3A_17 = tpu.memref_squeeze %dma_start3A_16 : memref<1x40xi32, #tpu.memory_space<vmem>> -> memref<40xi32, #tpu.memory_space<vmem>>
    %dma_start3A_18 = arith.constant 0 : i32
    %dma_start3A_19 = arith.constant 0 : i32
    %dma_start3A_20 = tpu.memref_slice %arg2[%dma_start3A_18, %dma_start3A_19] : memref<10000x128xf32, #tpu.memory_space<hbm>> -> memref<10000x128xf32, #tpu.memory_space<hbm>>
    tpu.enqueue_indirect_dma source(%dma_start3A_20 : memref<10000x128xf32, #tpu.memory_space<hbm>>) target(%arg13 : memref<40x128xf32, #tpu.memory_space<vmem>>) offsets(%dma_start3A_17 : memref<40xi32, #tpu.memory_space<vmem>>) semaphore(%arg17 : memref<!tpu.dma_semaphore, #tpu.memory_space<semaphore_mem>>)
    %mul3A = arith.constant 624 : i32
    %mul3A_21 = arith.muli %arg1, %mul3A : i32
    %multiple_of3A = tpu.assume_multiple %mul3A_21, 8 : i32
    "tpu.region"() ({
      %run_scoped3A_96 = tpu.sem_alloc : memref<!tpu.dma_semaphore, #tpu.memory_space<semaphore_mem>>
      %dma_start3A_97 = arith.constant 0 : i32
      %dma_start3A_98 = tpu.memref_slice %arg14[%multiple_of3A, %dma_start3A_97] : memref<10000x128xf32, #tpu.memory_space<vmem_shared>> -> memref<624x128xf32, #tpu.memory_space<vmem_shared>>
      %dma_start3A_99 = arith.constant 0 : i32
      %dma_start3A_100 = tpu.memref_slice %arg4[%multiple_of3A, %dma_start3A_99] : memref<10000x128xf32, #tpu.memory_space<hbm>> -> memref<624x128xf32, #tpu.memory_space<hbm>>
      tpu.enqueue_dma source(%dma_start3A_100 : memref<624x128xf32, #tpu.memory_space<hbm>>) target(%dma_start3A_98 : memref<624x128xf32, #tpu.memory_space<vmem_shared>>) target_semaphore(%run_scoped3A_96 : memref<!tpu.dma_semaphore, #tpu.memory_space<semaphore_mem>>)
      %dma_wait3A_101 = arith.constant 0 : i32
      %dma_wait3A_102 = tpu.memref_slice %arg14[%multiple_of3A, %dma_wait3A_101] : memref<10000x128xf32, #tpu.memory_space<vmem_shared>> -> memref<624x128xf32, #tpu.memory_space<vmem_shared>>
      %dma_wait3A_103 = arith.constant 0 : i32
      %dma_wait3A_104 = tpu.memref_slice %arg4[%multiple_of3A, %dma_wait3A_103] : memref<10000x128xf32, #tpu.memory_space<hbm>> -> memref<624x128xf32, #tpu.memory_space<hbm>>
      tpu.wait_dma2 semaphore(%run_scoped3A_96 : memref<!tpu.dma_semaphore, #tpu.memory_space<semaphore_mem>>) src(%dma_wait3A_104 : memref<624x128xf32, #tpu.memory_space<hbm>>) dst(%dma_wait3A_102 : memref<624x128xf32, #tpu.memory_space<vmem_shared>>)
      tpu.yield
    }) : () -> ()
    "tpu.region"() ({
      %run_scoped3A_96 = tpu.sem_alloc : memref<!tpu.dma_semaphore, #tpu.memory_space<semaphore_mem>>
      %dma_start3A_97 = arith.constant 0 : i32
      %dma_start3A_98 = tpu.memref_slice %arg22[%multiple_of3A, %dma_start3A_97] : memref<10000x16xf32, #tpu.memory_space<vmem_shared>> -> memref<624x16xf32, #tpu.memory_space<vmem_shared>>
      %dma_start3A_99 = arith.constant 0 : i32
      %dma_start3A_100 = tpu.memref_slice %arg5[%multiple_of3A, %dma_start3A_99] : memref<10000x16xf32, #tpu.memory_space<hbm>> -> memref<624x16xf32, #tpu.memory_space<hbm>>
      tpu.enqueue_dma source(%dma_start3A_100 : memref<624x16xf32, #tpu.memory_space<hbm>>) target(%dma_start3A_98 : memref<624x16xf32, #tpu.memory_space<vmem_shared>>) target_semaphore(%run_scoped3A_96 : memref<!tpu.dma_semaphore, #tpu.memory_space<semaphore_mem>>)
      %dma_wait3A_101 = arith.constant 0 : i32
      %dma_wait3A_102 = tpu.memref_slice %arg22[%multiple_of3A, %dma_wait3A_101] : memref<10000x16xf32, #tpu.memory_space<vmem_shared>> -> memref<624x16xf32, #tpu.memory_space<vmem_shared>>
      %dma_wait3A_103 = arith.constant 0 : i32
      %dma_wait3A_104 = tpu.memref_slice %arg5[%multiple_of3A, %dma_wait3A_103] : memref<10000x16xf32, #tpu.memory_space<hbm>> -> memref<624x16xf32, #tpu.memory_space<hbm>>
      tpu.wait_dma2 semaphore(%run_scoped3A_96 : memref<!tpu.dma_semaphore, #tpu.memory_space<semaphore_mem>>) src(%dma_wait3A_104 : memref<624x16xf32, #tpu.memory_space<hbm>>) dst(%dma_wait3A_102 : memref<624x16xf32, #tpu.memory_space<vmem_shared>>)
      tpu.yield
    }) : () -> ()
    %eq3A = arith.constant 0 : i32
    %eq3A_22 = arith.cmpi eq, %arg1, %eq3A : i32
    %convert_element_type3A = arith.extui %eq3A_22 : i1 to i32
    %cond3A = arith.constant 0 : i32
    %cond3A_23 = arith.cmpi ne, %convert_element_type3A, %cond3A : i32
    scf.if %cond3A_23 {
      "tpu.region"() ({
        %run_scoped3A_96 = tpu.sem_alloc : memref<!tpu.dma_semaphore, #tpu.memory_space<semaphore_mem>>
        %dma_start3A_97 = arith.constant 9984 : i32
        %dma_start3A_98 = arith.constant 0 : i32
        %dma_start3A_99 = tpu.memref_slice %arg14[%dma_start3A_97, %dma_start3A_98] : memref<10000x128xf32, #tpu.memory_space<vmem_shared>> -> memref<16x128xf32, #tpu.memory_space<vmem_shared>>
        %dma_start3A_100 = arith.constant 9984 : i32
        %dma_start3A_101 = arith.constant 0 : i32
        %dma_start3A_102 = tpu.memref_slice %arg4[%dma_start3A_100, %dma_start3A_101] : memref<10000x128xf32, #tpu.memory_space<hbm>> -> memref<16x128xf32, #tpu.memory_space<hbm>>
        tpu.enqueue_dma source(%dma_start3A_102 : memref<16x128xf32, #tpu.memory_space<hbm>>) target(%dma_start3A_99 : memref<16x128xf32, #tpu.memory_space<vmem_shared>>) target_semaphore(%run_scoped3A_96 : memref<!tpu.dma_semaphore, #tpu.memory_space<semaphore_mem>>)
        %dma_wait3A_103 = arith.constant 9984 : i32
        %dma_wait3A_104 = arith.constant 0 : i32
        %dma_wait3A_105 = tpu.memref_slice %arg14[%dma_wait3A_103, %dma_wait3A_104] : memref<10000x128xf32, #tpu.memory_space<vmem_shared>> -> memref<16x128xf32, #tpu.memory_space<vmem_shared>>
        %dma_wait3A_106 = arith.constant 9984 : i32
        %dma_wait3A_107 = arith.constant 0 : i32
        %dma_wait3A_108 = tpu.memref_slice %arg4[%dma_wait3A_106, %dma_wait3A_107] : memref<10000x128xf32, #tpu.memory_space<hbm>> -> memref<16x128xf32, #tpu.memory_space<hbm>>
        tpu.wait_dma2 semaphore(%run_scoped3A_96 : memref<!tpu.dma_semaphore, #tpu.memory_space<semaphore_mem>>) src(%dma_wait3A_108 : memref<16x128xf32, #tpu.memory_space<hbm>>) dst(%dma_wait3A_105 : memref<16x128xf32, #tpu.memory_space<vmem_shared>>)
        tpu.yield
      }) : () -> ()
      "tpu.region"() ({
        %run_scoped3A_96 = tpu.sem_alloc : memref<!tpu.dma_semaphore, #tpu.memory_space<semaphore_mem>>
        %dma_start3A_97 = arith.constant 9984 : i32
        %dma_start3A_98 = arith.constant 0 : i32
        %dma_start3A_99 = tpu.memref_slice %arg22[%dma_start3A_97, %dma_start3A_98] : memref<10000x16xf32, #tpu.memory_space<vmem_shared>> -> memref<16x16xf32, #tpu.memory_space<vmem_shared>>
        %dma_start3A_100 = arith.constant 9984 : i32
        %dma_start3A_101 = arith.constant 0 : i32
        %dma_start3A_102 = tpu.memref_slice %arg5[%dma_start3A_100, %dma_start3A_101] : memref<10000x16xf32, #tpu.memory_space<hbm>> -> memref<16x16xf32, #tpu.memory_space<hbm>>
        tpu.enqueue_dma source(%dma_start3A_102 : memref<16x16xf32, #tpu.memory_space<hbm>>) target(%dma_start3A_99 : memref<16x16xf32, #tpu.memory_space<vmem_shared>>) target_semaphore(%run_scoped3A_96 : memref<!tpu.dma_semaphore, #tpu.memory_space<semaphore_mem>>)
        %dma_wait3A_103 = arith.constant 9984 : i32
        %dma_wait3A_104 = arith.constant 0 : i32
        %dma_wait3A_105 = tpu.memref_slice %arg22[%dma_wait3A_103, %dma_wait3A_104] : memref<10000x16xf32, #tpu.memory_space<vmem_shared>> -> memref<16x16xf32, #tpu.memory_space<vmem_shared>>
        %dma_wait3A_106 = arith.constant 9984 : i32
        %dma_wait3A_107 = arith.constant 0 : i32
        %dma_wait3A_108 = tpu.memref_slice %arg5[%dma_wait3A_106, %dma_wait3A_107] : memref<10000x16xf32, #tpu.memory_space<hbm>> -> memref<16x16xf32, #tpu.memory_space<hbm>>
        tpu.wait_dma2 semaphore(%run_scoped3A_96 : memref<!tpu.dma_semaphore, #tpu.memory_space<semaphore_mem>>) src(%dma_wait3A_108 : memref<16x16xf32, #tpu.memory_space<hbm>>) dst(%dma_wait3A_105 : memref<16x16xf32, #tpu.memory_space<vmem_shared>>)
        tpu.yield
      }) : () -> ()
    } else {
    }
    %barrier3A = arith.constant 0 : index
    tpu.barrier barrier_id(%barrier3A)
    %scan3A = arith.constant 0 : i32
    %scan3A_24 = arith.constant 83 : i32
    %scan3A_25 = arith.addi %scan3A, %scan3A_24 : i32
    %scan3A_26 = arith.constant 1 : i32
    scf.for %scan3A_96 = %scan3A to %scan3A_25 step %scan3A_26  : i32 {
      %mul3A_97 = arith.constant 3 : i32
      %mul3A_98 = arith.muli %scan3A_96, %mul3A_97 : i32
      %add3A = arith.constant 0 : i32
      %add3A_99 = arith.addi %add3A, %mul3A_98 : i32
      %add3A_100 = arith.constant 0 : i32
      %add3A_101 = arith.addi %add3A_99, %add3A_100 : i32
      %dma_wait3A_102 = arith.constant 0 : i32
      %dma_wait3A_103 = tpu.memref_slice %arg9[%add3A_101, %dma_wait3A_102] : memref<250x40xi32, #tpu.memory_space<vmem>> -> memref<1x40xi32, #tpu.memory_space<vmem>>
      %dma_wait3A_104 = tpu.memref_squeeze %dma_wait3A_103 : memref<1x40xi32, #tpu.memory_space<vmem>> -> memref<40xi32, #tpu.memory_space<vmem>>
      %dma_wait3A_105 = arith.constant 0 : i32
      %dma_wait3A_106 = arith.constant 0 : i32
      %dma_wait3A_107 = tpu.memref_slice %arg2[%dma_wait3A_105, %dma_wait3A_106] : memref<10000x128xf32, #tpu.memory_space<hbm>> -> memref<10000x128xf32, #tpu.memory_space<hbm>>
      tpu.wait_indirect_dma semaphore(%arg15 : memref<!tpu.dma_semaphore, #tpu.memory_space<semaphore_mem>>) src(%dma_wait3A_107 : memref<10000x128xf32, #tpu.memory_space<hbm>>) dst(%arg11 : memref<40x128xf32, #tpu.memory_space<vmem>>)
      %dma_start3A_108 = arith.constant 0 : i32
      %dma_start3A_109 = tpu.memref_slice %arg10[%add3A_101, %dma_start3A_108] : memref<250x40xi32, #tpu.memory_space<vmem>> -> memref<1x40xi32, #tpu.memory_space<vmem>>
      %dma_start3A_110 = tpu.memref_squeeze %dma_start3A_109 : memref<1x40xi32, #tpu.memory_space<vmem>> -> memref<40xi32, #tpu.memory_space<vmem>>
      %dma_start3A_111 = arith.constant 0 : i32
      %dma_start3A_112 = arith.constant 0 : i32
      %dma_start3A_113 = tpu.memref_slice %arg14[%dma_start3A_111, %dma_start3A_112] : memref<10000x128xf32, #tpu.memory_space<vmem_shared>> -> memref<10000x128xf32, #tpu.memory_space<vmem_shared>>
      tpu.enqueue_indirect_dma source(%arg11 : memref<40x128xf32, #tpu.memory_space<vmem>>) target(%dma_start3A_113 : memref<10000x128xf32, #tpu.memory_space<vmem_shared>>) offsets(%dma_start3A_110 : memref<40xi32, #tpu.memory_space<vmem>>) semaphore(%arg18 : memref<!tpu.dma_semaphore, #tpu.memory_space<semaphore_mem>>) {add = true}
      %dma_start3A_114 = arith.constant 0 : i32
      %dma_start3A_115 = tpu.memref_slice %arg10[%add3A_101, %dma_start3A_114] : memref<250x40xi32, #tpu.memory_space<vmem>> -> memref<1x40xi32, #tpu.memory_space<vmem>>
      %dma_start3A_116 = tpu.memref_squeeze %dma_start3A_115 : memref<1x40xi32, #tpu.memory_space<vmem>> -> memref<40xi32, #tpu.memory_space<vmem>>
      %dma_start3A_117 = arith.constant 0 : i32
      %dma_start3A_118 = arith.constant 0 : i32
      %dma_start3A_119 = tpu.memref_slice %arg22[%dma_start3A_117, %dma_start3A_118] : memref<10000x16xf32, #tpu.memory_space<vmem_shared>> -> memref<10000x16xf32, #tpu.memory_space<vmem_shared>>
      tpu.enqueue_indirect_dma source(%arg21 : memref<40x16xf32, #tpu.memory_space<vmem>>) target(%dma_start3A_119 : memref<10000x16xf32, #tpu.memory_space<vmem_shared>>) offsets(%dma_start3A_116 : memref<40xi32, #tpu.memory_space<vmem>>) semaphore(%arg23 : memref<!tpu.dma_semaphore, #tpu.memory_space<semaphore_mem>>) {add = true}
      %add3A_120 = arith.constant 3 : i32
      %add3A_121 = arith.addi %add3A_101, %add3A_120 : i32
      %lt3A = arith.constant 250 : i32
      %lt3A_122 = arith.cmpi slt, %add3A_121, %lt3A : i32
      %convert_element_type3A_123 = arith.extui %lt3A_122 : i1 to i32
      %cond3A_124 = arith.constant 0 : i32
      %cond3A_125 = arith.cmpi ne, %convert_element_type3A_123, %cond3A_124 : i32
      scf.if %cond3A_125 {
        %dma_wait3A_180 = arith.constant 0 : i32
        %dma_wait3A_181 = tpu.memref_slice %arg10[%add3A_101, %dma_wait3A_180] : memref<250x40xi32, #tpu.memory_space<vmem>> -> memref<1x40xi32, #tpu.memory_space<vmem>>
        %dma_wait3A_182 = tpu.memref_squeeze %dma_wait3A_181 : memref<1x40xi32, #tpu.memory_space<vmem>> -> memref<40xi32, #tpu.memory_space<vmem>>
        %dma_wait3A_183 = arith.constant 0 : i32
        %dma_wait3A_184 = arith.constant 0 : i32
        %dma_wait3A_185 = tpu.memref_slice %arg14[%dma_wait3A_183, %dma_wait3A_184] : memref<10000x128xf32, #tpu.memory_space<vmem_shared>> -> memref<10000x128xf32, #tpu.memory_space<vmem_shared>>
        tpu.wait_indirect_dma semaphore(%arg18 : memref<!tpu.dma_semaphore, #tpu.memory_space<semaphore_mem>>) src(%arg11 : memref<40x128xf32, #tpu.memory_space<vmem>>) dst(%dma_wait3A_185 : memref<10000x128xf32, #tpu.memory_space<vmem_shared>>)
        %dma_wait3A_186 = arith.constant 0 : i32
        %dma_wait3A_187 = tpu.memref_slice %arg10[%add3A_101, %dma_wait3A_186] : memref<250x40xi32, #tpu.memory_space<vmem>> -> memref<1x40xi32, #tpu.memory_space<vmem>>
        %dma_wait3A_188 = tpu.memref_squeeze %dma_wait3A_187 : memref<1x40xi32, #tpu.memory_space<vmem>> -> memref<40xi32, #tpu.memory_space<vmem>>
        %dma_wait3A_189 = arith.constant 0 : i32
        %dma_wait3A_190 = arith.constant 0 : i32
        %dma_wait3A_191 = tpu.memref_slice %arg22[%dma_wait3A_189, %dma_wait3A_190] : memref<10000x16xf32, #tpu.memory_space<vmem_shared>> -> memref<10000x16xf32, #tpu.memory_space<vmem_shared>>
        tpu.wait_indirect_dma semaphore(%arg23 : memref<!tpu.dma_semaphore, #tpu.memory_space<semaphore_mem>>) src(%arg21 : memref<40x16xf32, #tpu.memory_space<vmem>>) dst(%dma_wait3A_191 : memref<10000x16xf32, #tpu.memory_space<vmem_shared>>)
        %dma_start3A_192 = arith.constant 0 : i32
        %dma_start3A_193 = tpu.memref_slice %arg9[%add3A_121, %dma_start3A_192] : memref<250x40xi32, #tpu.memory_space<vmem>> -> memref<1x40xi32, #tpu.memory_space<vmem>>
        %dma_start3A_194 = tpu.memref_squeeze %dma_start3A_193 : memref<1x40xi32, #tpu.memory_space<vmem>> -> memref<40xi32, #tpu.memory_space<vmem>>
        %dma_start3A_195 = arith.constant 0 : i32
        %dma_start3A_196 = arith.constant 0 : i32
        %dma_start3A_197 = tpu.memref_slice %arg2[%dma_start3A_195, %dma_start3A_196] : memref<10000x128xf32, #tpu.memory_space<hbm>> -> memref<10000x128xf32, #tpu.memory_space<hbm>>
        tpu.enqueue_indirect_dma source(%dma_start3A_197 : memref<10000x128xf32, #tpu.memory_space<hbm>>) target(%arg11 : memref<40x128xf32, #tpu.memory_space<vmem>>) offsets(%dma_start3A_194 : memref<40xi32, #tpu.memory_space<vmem>>) semaphore(%arg15 : memref<!tpu.dma_semaphore, #tpu.memory_space<semaphore_mem>>)
      } else {
      }
      %add3A_126 = arith.constant 1 : i32
      %add3A_127 = arith.addi %add3A_99, %add3A_126 : i32
      %dma_wait3A_128 = arith.constant 0 : i32
      %dma_wait3A_129 = tpu.memref_slice %arg9[%add3A_127, %dma_wait3A_128] : memref<250x40xi32, #tpu.memory_space<vmem>> -> memref<1x40xi32, #tpu.memory_space<vmem>>
      %dma_wait3A_130 = tpu.memref_squeeze %dma_wait3A_129 : memref<1x40xi32, #tpu.memory_space<vmem>> -> memref<40xi32, #tpu.memory_space<vmem>>
      %dma_wait3A_131 = arith.constant 0 : i32
      %dma_wait3A_132 = arith.constant 0 : i32
      %dma_wait3A_133 = tpu.memref_slice %arg2[%dma_wait3A_131, %dma_wait3A_132] : memref<10000x128xf32, #tpu.memory_space<hbm>> -> memref<10000x128xf32, #tpu.memory_space<hbm>>
      tpu.wait_indirect_dma semaphore(%arg16 : memref<!tpu.dma_semaphore, #tpu.memory_space<semaphore_mem>>) src(%dma_wait3A_133 : memref<10000x128xf32, #tpu.memory_space<hbm>>) dst(%arg12 : memref<40x128xf32, #tpu.memory_space<vmem>>)
      %dma_start3A_134 = arith.constant 0 : i32
      %dma_start3A_135 = tpu.memref_slice %arg10[%add3A_127, %dma_start3A_134] : memref<250x40xi32, #tpu.memory_space<vmem>> -> memref<1x40xi32, #tpu.memory_space<vmem>>
      %dma_start3A_136 = tpu.memref_squeeze %dma_start3A_135 : memref<1x40xi32, #tpu.memory_space<vmem>> -> memref<40xi32, #tpu.memory_space<vmem>>
      %dma_start3A_137 = arith.constant 0 : i32
      %dma_start3A_138 = arith.constant 0 : i32
      %dma_start3A_139 = tpu.memref_slice %arg14[%dma_start3A_137, %dma_start3A_138] : memref<10000x128xf32, #tpu.memory_space<vmem_shared>> -> memref<10000x128xf32, #tpu.memory_space<vmem_shared>>
      tpu.enqueue_indirect_dma source(%arg12 : memref<40x128xf32, #tpu.memory_space<vmem>>) target(%dma_start3A_139 : memref<10000x128xf32, #tpu.memory_space<vmem_shared>>) offsets(%dma_start3A_136 : memref<40xi32, #tpu.memory_space<vmem>>) semaphore(%arg19 : memref<!tpu.dma_semaphore, #tpu.memory_space<semaphore_mem>>) {add = true}
      %dma_start3A_140 = arith.constant 0 : i32
      %dma_start3A_141 = tpu.memref_slice %arg10[%add3A_127, %dma_start3A_140] : memref<250x40xi32, #tpu.memory_space<vmem>> -> memref<1x40xi32, #tpu.memory_space<vmem>>
      %dma_start3A_142 = tpu.memref_squeeze %dma_start3A_141 : memref<1x40xi32, #tpu.memory_space<vmem>> -> memref<40xi32, #tpu.memory_space<vmem>>
      %dma_start3A_143 = arith.constant 0 : i32
      %dma_start3A_144 = arith.constant 0 : i32
      %dma_start3A_145 = tpu.memref_slice %arg22[%dma_start3A_143, %dma_start3A_144] : memref<10000x16xf32, #tpu.memory_space<vmem_shared>> -> memref<10000x16xf32, #tpu.memory_space<vmem_shared>>
      tpu.enqueue_indirect_dma source(%arg21 : memref<40x16xf32, #tpu.memory_space<vmem>>) target(%dma_start3A_145 : memref<10000x16xf32, #tpu.memory_space<vmem_shared>>) offsets(%dma_start3A_142 : memref<40xi32, #tpu.memory_space<vmem>>) semaphore(%arg24 : memref<!tpu.dma_semaphore, #tpu.memory_space<semaphore_mem>>) {add = true}
      %add3A_146 = arith.constant 3 : i32
      %add3A_147 = arith.addi %add3A_127, %add3A_146 : i32
      %lt3A_148 = arith.constant 250 : i32
      %lt3A_149 = arith.cmpi slt, %add3A_147, %lt3A_148 : i32
      %convert_element_type3A_150 = arith.extui %lt3A_149 : i1 to i32
      %cond3A_151 = arith.constant 0 : i32
      %cond3A_152 = arith.cmpi ne, %convert_element_type3A_150, %cond3A_151 : i32
      scf.if %cond3A_152 {
        %dma_wait3A_180 = arith.constant 0 : i32
        %dma_wait3A_181 = tpu.memref_slice %arg10[%add3A_127, %dma_wait3A_180] : memref<250x40xi32, #tpu.memory_space<vmem>> -> memref<1x40xi32, #tpu.memory_space<vmem>>
        %dma_wait3A_182 = tpu.memref_squeeze %dma_wait3A_181 : memref<1x40xi32, #tpu.memory_space<vmem>> -> memref<40xi32, #tpu.memory_space<vmem>>
        %dma_wait3A_183 = arith.constant 0 : i32
        %dma_wait3A_184 = arith.constant 0 : i32
        %dma_wait3A_185 = tpu.memref_slice %arg14[%dma_wait3A_183, %dma_wait3A_184] : memref<10000x128xf32, #tpu.memory_space<vmem_shared>> -> memref<10000x128xf32, #tpu.memory_space<vmem_shared>>
        tpu.wait_indirect_dma semaphore(%arg19 : memref<!tpu.dma_semaphore, #tpu.memory_space<semaphore_mem>>) src(%arg12 : memref<40x128xf32, #tpu.memory_space<vmem>>) dst(%dma_wait3A_185 : memref<10000x128xf32, #tpu.memory_space<vmem_shared>>)
        %dma_wait3A_186 = arith.constant 0 : i32
        %dma_wait3A_187 = tpu.memref_slice %arg10[%add3A_127, %dma_wait3A_186] : memref<250x40xi32, #tpu.memory_space<vmem>> -> memref<1x40xi32, #tpu.memory_space<vmem>>
        %dma_wait3A_188 = tpu.memref_squeeze %dma_wait3A_187 : memref<1x40xi32, #tpu.memory_space<vmem>> -> memref<40xi32, #tpu.memory_space<vmem>>
        %dma_wait3A_189 = arith.constant 0 : i32
        %dma_wait3A_190 = arith.constant 0 : i32
        %dma_wait3A_191 = tpu.memref_slice %arg22[%dma_wait3A_189, %dma_wait3A_190] : memref<10000x16xf32, #tpu.memory_space<vmem_shared>> -> memref<10000x16xf32, #tpu.memory_space<vmem_shared>>
        tpu.wait_indirect_dma semaphore(%arg24 : memref<!tpu.dma_semaphore, #tpu.memory_space<semaphore_mem>>) src(%arg21 : memref<40x16xf32, #tpu.memory_space<vmem>>) dst(%dma_wait3A_191 : memref<10000x16xf32, #tpu.memory_space<vmem_shared>>)
        %dma_start3A_192 = arith.constant 0 : i32
        %dma_start3A_193 = tpu.memref_slice %arg9[%add3A_147, %dma_start3A_192] : memref<250x40xi32, #tpu.memory_space<vmem>> -> memref<1x40xi32, #tpu.memory_space<vmem>>
        %dma_start3A_194 = tpu.memref_squeeze %dma_start3A_193 : memref<1x40xi32, #tpu.memory_space<vmem>> -> memref<40xi32, #tpu.memory_space<vmem>>
        %dma_start3A_195 = arith.constant 0 : i32
        %dma_start3A_196 = arith.constant 0 : i32
        %dma_start3A_197 = tpu.memref_slice %arg2[%dma_start3A_195, %dma_start3A_196] : memref<10000x128xf32, #tpu.memory_space<hbm>> -> memref<10000x128xf32, #tpu.memory_space<hbm>>
        tpu.enqueue_indirect_dma source(%dma_start3A_197 : memref<10000x128xf32, #tpu.memory_space<hbm>>) target(%arg12 : memref<40x128xf32, #tpu.memory_space<vmem>>) offsets(%dma_start3A_194 : memref<40xi32, #tpu.memory_space<vmem>>) semaphore(%arg16 : memref<!tpu.dma_semaphore, #tpu.memory_space<semaphore_mem>>)
      } else {
      }
      %add3A_153 = arith.constant 2 : i32
      %add3A_154 = arith.addi %add3A_99, %add3A_153 : i32
      %dma_wait3A_155 = arith.constant 0 : i32
      %dma_wait3A_156 = tpu.memref_slice %arg9[%add3A_154, %dma_wait3A_155] : memref<250x40xi32, #tpu.memory_space<vmem>> -> memref<1x40xi32, #tpu.memory_space<vmem>>
      %dma_wait3A_157 = tpu.memref_squeeze %dma_wait3A_156 : memref<1x40xi32, #tpu.memory_space<vmem>> -> memref<40xi32, #tpu.memory_space<vmem>>
      %dma_wait3A_158 = arith.constant 0 : i32
      %dma_wait3A_159 = arith.constant 0 : i32
      %dma_wait3A_160 = tpu.memref_slice %arg2[%dma_wait3A_158, %dma_wait3A_159] : memref<10000x128xf32, #tpu.memory_space<hbm>> -> memref<10000x128xf32, #tpu.memory_space<hbm>>
      tpu.wait_indirect_dma semaphore(%arg17 : memref<!tpu.dma_semaphore, #tpu.memory_space<semaphore_mem>>) src(%dma_wait3A_160 : memref<10000x128xf32, #tpu.memory_space<hbm>>) dst(%arg13 : memref<40x128xf32, #tpu.memory_space<vmem>>)
      %dma_start3A_161 = arith.constant 0 : i32
      %dma_start3A_162 = tpu.memref_slice %arg10[%add3A_154, %dma_start3A_161] : memref<250x40xi32, #tpu.memory_space<vmem>> -> memref<1x40xi32, #tpu.memory_space<vmem>>
      %dma_start3A_163 = tpu.memref_squeeze %dma_start3A_162 : memref<1x40xi32, #tpu.memory_space<vmem>> -> memref<40xi32, #tpu.memory_space<vmem>>
      %dma_start3A_164 = arith.constant 0 : i32
      %dma_start3A_165 = arith.constant 0 : i32
      %dma_start3A_166 = tpu.memref_slice %arg14[%dma_start3A_164, %dma_start3A_165] : memref<10000x128xf32, #tpu.memory_space<vmem_shared>> -> memref<10000x128xf32, #tpu.memory_space<vmem_shared>>
      tpu.enqueue_indirect_dma source(%arg13 : memref<40x128xf32, #tpu.memory_space<vmem>>) target(%dma_start3A_166 : memref<10000x128xf32, #tpu.memory_space<vmem_shared>>) offsets(%dma_start3A_163 : memref<40xi32, #tpu.memory_space<vmem>>) semaphore(%arg20 : memref<!tpu.dma_semaphore, #tpu.memory_space<semaphore_mem>>) {add = true}
      %dma_start3A_167 = arith.constant 0 : i32
      %dma_start3A_168 = tpu.memref_slice %arg10[%add3A_154, %dma_start3A_167] : memref<250x40xi32, #tpu.memory_space<vmem>> -> memref<1x40xi32, #tpu.memory_space<vmem>>
      %dma_start3A_169 = tpu.memref_squeeze %dma_start3A_168 : memref<1x40xi32, #tpu.memory_space<vmem>> -> memref<40xi32, #tpu.memory_space<vmem>>
      %dma_start3A_170 = arith.constant 0 : i32
      %dma_start3A_171 = arith.constant 0 : i32
      %dma_start3A_172 = tpu.memref_slice %arg22[%dma_start3A_170, %dma_start3A_171] : memref<10000x16xf32, #tpu.memory_space<vmem_shared>> -> memref<10000x16xf32, #tpu.memory_space<vmem_shared>>
      tpu.enqueue_indirect_dma source(%arg21 : memref<40x16xf32, #tpu.memory_space<vmem>>) target(%dma_start3A_172 : memref<10000x16xf32, #tpu.memory_space<vmem_shared>>) offsets(%dma_start3A_169 : memref<40xi32, #tpu.memory_space<vmem>>) semaphore(%arg25 : memref<!tpu.dma_semaphore, #tpu.memory_space<semaphore_mem>>) {add = true}
      %add3A_173 = arith.constant 3 : i32
      %add3A_174 = arith.addi %add3A_154, %add3A_173 : i32
      %lt3A_175 = arith.constant 250 : i32
      %lt3A_176 = arith.cmpi slt, %add3A_174, %lt3A_175 : i32
      %convert_element_type3A_177 = arith.extui %lt3A_176 : i1 to i32
      %cond3A_178 = arith.constant 0 : i32
      %cond3A_179 = arith.cmpi ne, %convert_element_type3A_177, %cond3A_178 : i32
      scf.if %cond3A_179 {
        %dma_wait3A_180 = arith.constant 0 : i32
        %dma_wait3A_181 = tpu.memref_slice %arg10[%add3A_154, %dma_wait3A_180] : memref<250x40xi32, #tpu.memory_space<vmem>> -> memref<1x40xi32, #tpu.memory_space<vmem>>
        %dma_wait3A_182 = tpu.memref_squeeze %dma_wait3A_181 : memref<1x40xi32, #tpu.memory_space<vmem>> -> memref<40xi32, #tpu.memory_space<vmem>>
        %dma_wait3A_183 = arith.constant 0 : i32
        %dma_wait3A_184 = arith.constant 0 : i32
        %dma_wait3A_185 = tpu.memref_slice %arg14[%dma_wait3A_183, %dma_wait3A_184] : memref<10000x128xf32, #tpu.memory_space<vmem_shared>> -> memref<10000x128xf32, #tpu.memory_space<vmem_shared>>
        tpu.wait_indirect_dma semaphore(%arg20 : memref<!tpu.dma_semaphore, #tpu.memory_space<semaphore_mem>>) src(%arg13 : memref<40x128xf32, #tpu.memory_space<vmem>>) dst(%dma_wait3A_185 : memref<10000x128xf32, #tpu.memory_space<vmem_shared>>)
        %dma_wait3A_186 = arith.constant 0 : i32
        %dma_wait3A_187 = tpu.memref_slice %arg10[%add3A_154, %dma_wait3A_186] : memref<250x40xi32, #tpu.memory_space<vmem>> -> memref<1x40xi32, #tpu.memory_space<vmem>>
        %dma_wait3A_188 = tpu.memref_squeeze %dma_wait3A_187 : memref<1x40xi32, #tpu.memory_space<vmem>> -> memref<40xi32, #tpu.memory_space<vmem>>
        %dma_wait3A_189 = arith.constant 0 : i32
        %dma_wait3A_190 = arith.constant 0 : i32
        %dma_wait3A_191 = tpu.memref_slice %arg22[%dma_wait3A_189, %dma_wait3A_190] : memref<10000x16xf32, #tpu.memory_space<vmem_shared>> -> memref<10000x16xf32, #tpu.memory_space<vmem_shared>>
        tpu.wait_indirect_dma semaphore(%arg25 : memref<!tpu.dma_semaphore, #tpu.memory_space<semaphore_mem>>) src(%arg21 : memref<40x16xf32, #tpu.memory_space<vmem>>) dst(%dma_wait3A_191 : memref<10000x16xf32, #tpu.memory_space<vmem_shared>>)
        %dma_start3A_192 = arith.constant 0 : i32
        %dma_start3A_193 = tpu.memref_slice %arg9[%add3A_174, %dma_start3A_192] : memref<250x40xi32, #tpu.memory_space<vmem>> -> memref<1x40xi32, #tpu.memory_space<vmem>>
        %dma_start3A_194 = tpu.memref_squeeze %dma_start3A_193 : memref<1x40xi32, #tpu.memory_space<vmem>> -> memref<40xi32, #tpu.memory_space<vmem>>
        %dma_start3A_195 = arith.constant 0 : i32
        %dma_start3A_196 = arith.constant 0 : i32
        %dma_start3A_197 = tpu.memref_slice %arg2[%dma_start3A_195, %dma_start3A_196] : memref<10000x128xf32, #tpu.memory_space<hbm>> -> memref<10000x128xf32, #tpu.memory_space<hbm>>
        tpu.enqueue_indirect_dma source(%dma_start3A_197 : memref<10000x128xf32, #tpu.memory_space<hbm>>) target(%arg13 : memref<40x128xf32, #tpu.memory_space<vmem>>) offsets(%dma_start3A_194 : memref<40xi32, #tpu.memory_space<vmem>>) semaphore(%arg17 : memref<!tpu.dma_semaphore, #tpu.memory_space<semaphore_mem>>)
      } else {
      }
    }
    %scan3A_27 = arith.constant 83 : i32
    %dma_wait3A = arith.constant 249 : i32
    %dma_wait3A_28 = arith.constant 0 : i32
    %dma_wait3A_29 = tpu.memref_slice %arg9[%dma_wait3A, %dma_wait3A_28] : memref<250x40xi32, #tpu.memory_space<vmem>> -> memref<1x40xi32, #tpu.memory_space<vmem>>
    %dma_wait3A_30 = tpu.memref_squeeze %dma_wait3A_29 : memref<1x40xi32, #tpu.memory_space<vmem>> -> memref<40xi32, #tpu.memory_space<vmem>>
    %dma_wait3A_31 = arith.constant 0 : i32
    %dma_wait3A_32 = arith.constant 0 : i32
    %dma_wait3A_33 = tpu.memref_slice %arg2[%dma_wait3A_31, %dma_wait3A_32] : memref<10000x128xf32, #tpu.memory_space<hbm>> -> memref<10000x128xf32, #tpu.memory_space<hbm>>
    tpu.wait_indirect_dma semaphore(%arg15 : memref<!tpu.dma_semaphore, #tpu.memory_space<semaphore_mem>>) src(%dma_wait3A_33 : memref<10000x128xf32, #tpu.memory_space<hbm>>) dst(%arg11 : memref<40x128xf32, #tpu.memory_space<vmem>>)
    %dma_start3A_34 = arith.constant 249 : i32
    %dma_start3A_35 = arith.constant 0 : i32
    %dma_start3A_36 = tpu.memref_slice %arg10[%dma_start3A_34, %dma_start3A_35] : memref<250x40xi32, #tpu.memory_space<vmem>> -> memref<1x40xi32, #tpu.memory_space<vmem>>
    %dma_start3A_37 = tpu.memref_squeeze %dma_start3A_36 : memref<1x40xi32, #tpu.memory_space<vmem>> -> memref<40xi32, #tpu.memory_space<vmem>>
    %dma_start3A_38 = arith.constant 0 : i32
    %dma_start3A_39 = arith.constant 0 : i32
    %dma_start3A_40 = tpu.memref_slice %arg14[%dma_start3A_38, %dma_start3A_39] : memref<10000x128xf32, #tpu.memory_space<vmem_shared>> -> memref<10000x128xf32, #tpu.memory_space<vmem_shared>>
    tpu.enqueue_indirect_dma source(%arg11 : memref<40x128xf32, #tpu.memory_space<vmem>>) target(%dma_start3A_40 : memref<10000x128xf32, #tpu.memory_space<vmem_shared>>) offsets(%dma_start3A_37 : memref<40xi32, #tpu.memory_space<vmem>>) semaphore(%arg18 : memref<!tpu.dma_semaphore, #tpu.memory_space<semaphore_mem>>) {add = true}
    %dma_start3A_41 = arith.constant 249 : i32
    %dma_start3A_42 = arith.constant 0 : i32
    %dma_start3A_43 = tpu.memref_slice %arg10[%dma_start3A_41, %dma_start3A_42] : memref<250x40xi32, #tpu.memory_space<vmem>> -> memref<1x40xi32, #tpu.memory_space<vmem>>
    %dma_start3A_44 = tpu.memref_squeeze %dma_start3A_43 : memref<1x40xi32, #tpu.memory_space<vmem>> -> memref<40xi32, #tpu.memory_space<vmem>>
    %dma_start3A_45 = arith.constant 0 : i32
    %dma_start3A_46 = arith.constant 0 : i32
    %dma_start3A_47 = tpu.memref_slice %arg22[%dma_start3A_45, %dma_start3A_46] : memref<10000x16xf32, #tpu.memory_space<vmem_shared>> -> memref<10000x16xf32, #tpu.memory_space<vmem_shared>>
    tpu.enqueue_indirect_dma source(%arg21 : memref<40x16xf32, #tpu.memory_space<vmem>>) target(%dma_start3A_47 : memref<10000x16xf32, #tpu.memory_space<vmem_shared>>) offsets(%dma_start3A_44 : memref<40xi32, #tpu.memory_space<vmem>>) semaphore(%arg23 : memref<!tpu.dma_semaphore, #tpu.memory_space<semaphore_mem>>) {add = true}
    %dma_wait3A_48 = arith.constant 0 : i32
    %dma_wait3A_49 = arith.constant 0 : i32
    %dma_wait3A_50 = tpu.memref_slice %arg10[%dma_wait3A_48, %dma_wait3A_49] : memref<250x40xi32, #tpu.memory_space<vmem>> -> memref<1x40xi32, #tpu.memory_space<vmem>>
    %dma_wait3A_51 = tpu.memref_squeeze %dma_wait3A_50 : memref<1x40xi32, #tpu.memory_space<vmem>> -> memref<40xi32, #tpu.memory_space<vmem>>
    %dma_wait3A_52 = arith.constant 0 : i32
    %dma_wait3A_53 = arith.constant 0 : i32
    %dma_wait3A_54 = tpu.memref_slice %arg14[%dma_wait3A_52, %dma_wait3A_53] : memref<10000x128xf32, #tpu.memory_space<vmem_shared>> -> memref<10000x128xf32, #tpu.memory_space<vmem_shared>>
    tpu.wait_indirect_dma semaphore(%arg18 : memref<!tpu.dma_semaphore, #tpu.memory_space<semaphore_mem>>) src(%arg11 : memref<40x128xf32, #tpu.memory_space<vmem>>) dst(%dma_wait3A_54 : memref<10000x128xf32, #tpu.memory_space<vmem_shared>>)
    %dma_wait3A_55 = arith.constant 0 : i32
    %dma_wait3A_56 = arith.constant 0 : i32
    %dma_wait3A_57 = tpu.memref_slice %arg10[%dma_wait3A_55, %dma_wait3A_56] : memref<250x40xi32, #tpu.memory_space<vmem>> -> memref<1x40xi32, #tpu.memory_space<vmem>>
    %dma_wait3A_58 = tpu.memref_squeeze %dma_wait3A_57 : memref<1x40xi32, #tpu.memory_space<vmem>> -> memref<40xi32, #tpu.memory_space<vmem>>
    %dma_wait3A_59 = arith.constant 0 : i32
    %dma_wait3A_60 = arith.constant 0 : i32
    %dma_wait3A_61 = tpu.memref_slice %arg22[%dma_wait3A_59, %dma_wait3A_60] : memref<10000x16xf32, #tpu.memory_space<vmem_shared>> -> memref<10000x16xf32, #tpu.memory_space<vmem_shared>>
    tpu.wait_indirect_dma semaphore(%arg23 : memref<!tpu.dma_semaphore, #tpu.memory_space<semaphore_mem>>) src(%arg21 : memref<40x16xf32, #tpu.memory_space<vmem>>) dst(%dma_wait3A_61 : memref<10000x16xf32, #tpu.memory_space<vmem_shared>>)
    %dma_wait3A_62 = arith.constant 1 : i32
    %dma_wait3A_63 = arith.constant 0 : i32
    %dma_wait3A_64 = tpu.memref_slice %arg10[%dma_wait3A_62, %dma_wait3A_63] : memref<250x40xi32, #tpu.memory_space<vmem>> -> memref<1x40xi32, #tpu.memory_space<vmem>>
    %dma_wait3A_65 = tpu.memref_squeeze %dma_wait3A_64 : memref<1x40xi32, #tpu.memory_space<vmem>> -> memref<40xi32, #tpu.memory_space<vmem>>
    %dma_wait3A_66 = arith.constant 0 : i32
    %dma_wait3A_67 = arith.constant 0 : i32
    %dma_wait3A_68 = tpu.memref_slice %arg14[%dma_wait3A_66, %dma_wait3A_67] : memref<10000x128xf32, #tpu.memory_space<vmem_shared>> -> memref<10000x128xf32, #tpu.memory_space<vmem_shared>>
    tpu.wait_indirect_dma semaphore(%arg19 : memref<!tpu.dma_semaphore, #tpu.memory_space<semaphore_mem>>) src(%arg12 : memref<40x128xf32, #tpu.memory_space<vmem>>) dst(%dma_wait3A_68 : memref<10000x128xf32, #tpu.memory_space<vmem_shared>>)
    %dma_wait3A_69 = arith.constant 1 : i32
    %dma_wait3A_70 = arith.constant 0 : i32
    %dma_wait3A_71 = tpu.memref_slice %arg10[%dma_wait3A_69, %dma_wait3A_70] : memref<250x40xi32, #tpu.memory_space<vmem>> -> memref<1x40xi32, #tpu.memory_space<vmem>>
    %dma_wait3A_72 = tpu.memref_squeeze %dma_wait3A_71 : memref<1x40xi32, #tpu.memory_space<vmem>> -> memref<40xi32, #tpu.memory_space<vmem>>
    %dma_wait3A_73 = arith.constant 0 : i32
    %dma_wait3A_74 = arith.constant 0 : i32
    %dma_wait3A_75 = tpu.memref_slice %arg22[%dma_wait3A_73, %dma_wait3A_74] : memref<10000x16xf32, #tpu.memory_space<vmem_shared>> -> memref<10000x16xf32, #tpu.memory_space<vmem_shared>>
    tpu.wait_indirect_dma semaphore(%arg24 : memref<!tpu.dma_semaphore, #tpu.memory_space<semaphore_mem>>) src(%arg21 : memref<40x16xf32, #tpu.memory_space<vmem>>) dst(%dma_wait3A_75 : memref<10000x16xf32, #tpu.memory_space<vmem_shared>>)
    %dma_wait3A_76 = arith.constant 2 : i32
    %dma_wait3A_77 = arith.constant 0 : i32
    %dma_wait3A_78 = tpu.memref_slice %arg10[%dma_wait3A_76, %dma_wait3A_77] : memref<250x40xi32, #tpu.memory_space<vmem>> -> memref<1x40xi32, #tpu.memory_space<vmem>>
    %dma_wait3A_79 = tpu.memref_squeeze %dma_wait3A_78 : memref<1x40xi32, #tpu.memory_space<vmem>> -> memref<40xi32, #tpu.memory_space<vmem>>
    %dma_wait3A_80 = arith.constant 0 : i32
    %dma_wait3A_81 = arith.constant 0 : i32
    %dma_wait3A_82 = tpu.memref_slice %arg14[%dma_wait3A_80, %dma_wait3A_81] : memref<10000x128xf32, #tpu.memory_space<vmem_shared>> -> memref<10000x128xf32, #tpu.memory_space<vmem_shared>>
    tpu.wait_indirect_dma semaphore(%arg20 : memref<!tpu.dma_semaphore, #tpu.memory_space<semaphore_mem>>) src(%arg13 : memref<40x128xf32, #tpu.memory_space<vmem>>) dst(%dma_wait3A_82 : memref<10000x128xf32, #tpu.memory_space<vmem_shared>>)
    %dma_wait3A_83 = arith.constant 2 : i32
    %dma_wait3A_84 = arith.constant 0 : i32
    %dma_wait3A_85 = tpu.memref_slice %arg10[%dma_wait3A_83, %dma_wait3A_84] : memref<250x40xi32, #tpu.memory_space<vmem>> -> memref<1x40xi32, #tpu.memory_space<vmem>>
    %dma_wait3A_86 = tpu.memref_squeeze %dma_wait3A_85 : memref<1x40xi32, #tpu.memory_space<vmem>> -> memref<40xi32, #tpu.memory_space<vmem>>
    %dma_wait3A_87 = arith.constant 0 : i32
    %dma_wait3A_88 = arith.constant 0 : i32
    %dma_wait3A_89 = tpu.memref_slice %arg22[%dma_wait3A_87, %dma_wait3A_88] : memref<10000x16xf32, #tpu.memory_space<vmem_shared>> -> memref<10000x16xf32, #tpu.memory_space<vmem_shared>>
    tpu.wait_indirect_dma semaphore(%arg25 : memref<!tpu.dma_semaphore, #tpu.memory_space<semaphore_mem>>) src(%arg21 : memref<40x16xf32, #tpu.memory_space<vmem>>) dst(%dma_wait3A_89 : memref<10000x16xf32, #tpu.memory_space<vmem_shared>>)
    %barrier3A_90 = arith.constant 0 : index
    tpu.barrier barrier_id(%barrier3A_90)
    "tpu.region"() ({
      %run_scoped3A_96 = tpu.sem_alloc : memref<!tpu.dma_semaphore, #tpu.memory_space<semaphore_mem>>
      %dma_start3A_97 = arith.constant 0 : i32
      %dma_start3A_98 = tpu.memref_slice %arg7[%arg0, %multiple_of3A, %dma_start3A_97] : memref<2x10000x128xf32, #tpu.memory_space<hbm>> -> memref<1x624x128xf32, #tpu.memory_space<hbm>>
      %dma_start3A_99 = tpu.memref_squeeze %dma_start3A_98 : memref<1x624x128xf32, #tpu.memory_space<hbm>> -> memref<624x128xf32, #tpu.memory_space<hbm>>
      %dma_start3A_100 = arith.constant 0 : i32
      %dma_start3A_101 = tpu.memref_slice %arg14[%multiple_of3A, %dma_start3A_100] : memref<10000x128xf32, #tpu.memory_space<vmem_shared>> -> memref<624x128xf32, #tpu.memory_space<vmem_shared>>
      tpu.enqueue_dma source(%dma_start3A_101 : memref<624x128xf32, #tpu.memory_space<vmem_shared>>) target(%dma_start3A_99 : memref<624x128xf32, #tpu.memory_space<hbm>>) target_semaphore(%run_scoped3A_96 : memref<!tpu.dma_semaphore, #tpu.memory_space<semaphore_mem>>)
      %dma_wait3A_102 = arith.constant 0 : i32
      %dma_wait3A_103 = tpu.memref_slice %arg7[%arg0, %multiple_of3A, %dma_wait3A_102] : memref<2x10000x128xf32, #tpu.memory_space<hbm>> -> memref<1x624x128xf32, #tpu.memory_space<hbm>>
      %dma_wait3A_104 = tpu.memref_squeeze %dma_wait3A_103 : memref<1x624x128xf32, #tpu.memory_space<hbm>> -> memref<624x128xf32, #tpu.memory_space<hbm>>
      %dma_wait3A_105 = arith.constant 0 : i32
      %dma_wait3A_106 = tpu.memref_slice %arg14[%multiple_of3A, %dma_wait3A_105] : memref<10000x128xf32, #tpu.memory_space<vmem_shared>> -> memref<624x128xf32, #tpu.memory_space<vmem_shared>>
      tpu.wait_dma2 semaphore(%run_scoped3A_96 : memref<!tpu.dma_semaphore, #tpu.memory_space<semaphore_mem>>) src(%dma_wait3A_106 : memref<624x128xf32, #tpu.memory_space<vmem_shared>>) dst(%dma_wait3A_104 : memref<624x128xf32, #tpu.memory_space<hbm>>)
      tpu.yield
    }) : () -> ()
    "tpu.region"() ({
      %run_scoped3A_96 = tpu.sem_alloc : memref<!tpu.dma_semaphore, #tpu.memory_space<semaphore_mem>>
      %dma_start3A_97 = arith.constant 0 : i32
      %dma_start3A_98 = tpu.memref_slice %arg8[%arg0, %multiple_of3A, %dma_start3A_97] : memref<2x10000x16xf32, #tpu.memory_space<hbm>> -> memref<1x624x16xf32, #tpu.memory_space<hbm>>
      %dma_start3A_99 = tpu.memref_squeeze %dma_start3A_98 : memref<1x624x16xf32, #tpu.memory_space<hbm>> -> memref<624x16xf32, #tpu.memory_space<hbm>>
      %dma_start3A_100 = arith.constant 0 : i32
      %dma_start3A_101 = tpu.memref_slice %arg22[%multiple_of3A, %dma_start3A_100] : memref<10000x16xf32, #tpu.memory_space<vmem_shared>> -> memref<624x16xf32, #tpu.memory_space<vmem_shared>>
      tpu.enqueue_dma source(%dma_start3A_101 : memref<624x16xf32, #tpu.memory_space<vmem_shared>>) target(%dma_start3A_99 : memref<624x16xf32, #tpu.memory_space<hbm>>) target_semaphore(%run_scoped3A_96 : memref<!tpu.dma_semaphore, #tpu.memory_space<semaphore_mem>>)
      %dma_wait3A_102 = arith.constant 0 : i32
      %dma_wait3A_103 = tpu.memref_slice %arg8[%arg0, %multiple_of3A, %dma_wait3A_102] : memref<2x10000x16xf32, #tpu.memory_space<hbm>> -> memref<1x624x16xf32, #tpu.memory_space<hbm>>
      %dma_wait3A_104 = tpu.memref_squeeze %dma_wait3A_103 : memref<1x624x16xf32, #tpu.memory_space<hbm>> -> memref<624x16xf32, #tpu.memory_space<hbm>>
      %dma_wait3A_105 = arith.constant 0 : i32
      %dma_wait3A_106 = tpu.memref_slice %arg22[%multiple_of3A, %dma_wait3A_105] : memref<10000x16xf32, #tpu.memory_space<vmem_shared>> -> memref<624x16xf32, #tpu.memory_space<vmem_shared>>
      tpu.wait_dma2 semaphore(%run_scoped3A_96 : memref<!tpu.dma_semaphore, #tpu.memory_space<semaphore_mem>>) src(%dma_wait3A_106 : memref<624x16xf32, #tpu.memory_space<vmem_shared>>) dst(%dma_wait3A_104 : memref<624x16xf32, #tpu.memory_space<hbm>>)
      tpu.yield
    }) : () -> ()
    %eq3A_91 = arith.constant 0 : i32
    %eq3A_92 = arith.cmpi eq, %arg1, %eq3A_91 : i32
    %convert_element_type3A_93 = arith.extui %eq3A_92 : i1 to i32
    %cond3A_94 = arith.constant 0 : i32
    %cond3A_95 = arith.cmpi ne, %convert_element_type3A_93, %cond3A_94 : i32
    scf.if %cond3A_95 {
      "tpu.region"() ({
        %run_scoped3A_96 = tpu.sem_alloc : memref<!tpu.dma_semaphore, #tpu.memory_space<semaphore_mem>>
        %dma_start3A_97 = arith.constant 9984 : i32
        %dma_start3A_98 = arith.constant 0 : i32
        %dma_start3A_99 = tpu.memref_slice %arg7[%arg0, %dma_start3A_97, %dma_start3A_98] : memref<2x10000x128xf32, #tpu.memory_space<hbm>> -> memref<1x16x128xf32, #tpu.memory_space<hbm>>
        %dma_start3A_100 = tpu.memref_squeeze %dma_start3A_99 : memref<1x16x128xf32, #tpu.memory_space<hbm>> -> memref<16x128xf32, #tpu.memory_space<hbm>>
        %dma_start3A_101 = arith.constant 9984 : i32
        %dma_start3A_102 = arith.constant 0 : i32
        %dma_start3A_103 = tpu.memref_slice %arg14[%dma_start3A_101, %dma_start3A_102] : memref<10000x128xf32, #tpu.memory_space<vmem_shared>> -> memref<16x128xf32, #tpu.memory_space<vmem_shared>>
        tpu.enqueue_dma source(%dma_start3A_103 : memref<16x128xf32, #tpu.memory_space<vmem_shared>>) target(%dma_start3A_100 : memref<16x128xf32, #tpu.memory_space<hbm>>) target_semaphore(%run_scoped3A_96 : memref<!tpu.dma_semaphore, #tpu.memory_space<semaphore_mem>>)
        %dma_wait3A_104 = arith.constant 9984 : i32
        %dma_wait3A_105 = arith.constant 0 : i32
        %dma_wait3A_106 = tpu.memref_slice %arg7[%arg0, %dma_wait3A_104, %dma_wait3A_105] : memref<2x10000x128xf32, #tpu.memory_space<hbm>> -> memref<1x16x128xf32, #tpu.memory_space<hbm>>
        %dma_wait3A_107 = tpu.memref_squeeze %dma_wait3A_106 : memref<1x16x128xf32, #tpu.memory_space<hbm>> -> memref<16x128xf32, #tpu.memory_space<hbm>>
        %dma_wait3A_108 = arith.constant 9984 : i32
        %dma_wait3A_109 = arith.constant 0 : i32
        %dma_wait3A_110 = tpu.memref_slice %arg14[%dma_wait3A_108, %dma_wait3A_109] : memref<10000x128xf32, #tpu.memory_space<vmem_shared>> -> memref<16x128xf32, #tpu.memory_space<vmem_shared>>
        tpu.wait_dma2 semaphore(%run_scoped3A_96 : memref<!tpu.dma_semaphore, #tpu.memory_space<semaphore_mem>>) src(%dma_wait3A_110 : memref<16x128xf32, #tpu.memory_space<vmem_shared>>) dst(%dma_wait3A_107 : memref<16x128xf32, #tpu.memory_space<hbm>>)
        tpu.yield
      }) : () -> ()
      "tpu.region"() ({
        %run_scoped3A_96 = tpu.sem_alloc : memref<!tpu.dma_semaphore, #tpu.memory_space<semaphore_mem>>
        %dma_start3A_97 = arith.constant 9984 : i32
        %dma_start3A_98 = arith.constant 0 : i32
        %dma_start3A_99 = tpu.memref_slice %arg8[%arg0, %dma_start3A_97, %dma_start3A_98] : memref<2x10000x16xf32, #tpu.memory_space<hbm>> -> memref<1x16x16xf32, #tpu.memory_space<hbm>>
        %dma_start3A_100 = tpu.memref_squeeze %dma_start3A_99 : memref<1x16x16xf32, #tpu.memory_space<hbm>> -> memref<16x16xf32, #tpu.memory_space<hbm>>
        %dma_start3A_101 = arith.constant 9984 : i32
        %dma_start3A_102 = arith.constant 0 : i32
        %dma_start3A_103 = tpu.memref_slice %arg22[%dma_start3A_101, %dma_start3A_102] : memref<10000x16xf32, #tpu.memory_space<vmem_shared>> -> memref<16x16xf32, #tpu.memory_space<vmem_shared>>
        tpu.enqueue_dma source(%dma_start3A_103 : memref<16x16xf32, #tpu.memory_space<vmem_shared>>) target(%dma_start3A_100 : memref<16x16xf32, #tpu.memory_space<hbm>>) target_semaphore(%run_scoped3A_96 : memref<!tpu.dma_semaphore, #tpu.memory_space<semaphore_mem>>)
        %dma_wait3A_104 = arith.constant 9984 : i32
        %dma_wait3A_105 = arith.constant 0 : i32
        %dma_wait3A_106 = tpu.memref_slice %arg8[%arg0, %dma_wait3A_104, %dma_wait3A_105] : memref<2x10000x16xf32, #tpu.memory_space<hbm>> -> memref<1x16x16xf32, #tpu.memory_space<hbm>>
        %dma_wait3A_107 = tpu.memref_squeeze %dma_wait3A_106 : memref<1x16x16xf32, #tpu.memory_space<hbm>> -> memref<16x16xf32, #tpu.memory_space<hbm>>
        %dma_wait3A_108 = arith.constant 9984 : i32
        %dma_wait3A_109 = arith.constant 0 : i32
        %dma_wait3A_110 = tpu.memref_slice %arg22[%dma_wait3A_108, %dma_wait3A_109] : memref<10000x16xf32, #tpu.memory_space<vmem_shared>> -> memref<16x16xf32, #tpu.memory_space<vmem_shared>>
        tpu.wait_dma2 semaphore(%run_scoped3A_96 : memref<!tpu.dma_semaphore, #tpu.memory_space<semaphore_mem>>) src(%dma_wait3A_110 : memref<16x16xf32, #tpu.memory_space<vmem_shared>>) dst(%dma_wait3A_107 : memref<16x16xf32, #tpu.memory_space<hbm>>)
        tpu.yield
      }) : () -> ()
    } else {
    }
    return
  }
}

#map = affine_map<(d0, d1) -> (0, 0)>
#map1 = affine_map<(d0, d1) -> (0, 0, 0, 0, 0)>
#map2 = affine_map<(d0, d1) -> (0, 0, 0)>
module attributes {stable_mosaic.version = 14 : i64} {
  func.func @sc_agg(%arg0: i32, %arg1: i32, %arg2: memref<10000x48xf32, #tpu.memory_space<hbm>>, %arg3: memref<2x2x16x100x100xi32, #tpu.memory_space<hbm>>, %arg4: memref<10000x48xf32, #tpu.memory_space<hbm>>, %arg5: memref<2x10000x48xf32, #tpu.memory_space<hbm>>, %arg6: memref<100x100xi32, #tpu.memory_space<vmem>>, %arg7: memref<100x100xi32, #tpu.memory_space<vmem>>, %arg8: memref<100x48xf32, #tpu.memory_space<vmem>>, %arg9: memref<100x48xf32, #tpu.memory_space<vmem>>, %arg10: memref<100x48xf32, #tpu.memory_space<vmem>>, %arg11: memref<100x48xf32, #tpu.memory_space<vmem>>, %arg12: memref<100x48xf32, #tpu.memory_space<vmem>>, %arg13: memref<10000x48xf32, #tpu.memory_space<vmem_shared>>, %arg14: memref<!tpu.dma_semaphore, #tpu.memory_space<semaphore_mem>>, %arg15: memref<!tpu.dma_semaphore, #tpu.memory_space<semaphore_mem>>, %arg16: memref<!tpu.dma_semaphore, #tpu.memory_space<semaphore_mem>>, %arg17: memref<!tpu.dma_semaphore, #tpu.memory_space<semaphore_mem>>, %arg18: memref<!tpu.dma_semaphore, #tpu.memory_space<semaphore_mem>>, %arg19: memref<!tpu.dma_semaphore, #tpu.memory_space<semaphore_mem>>, %arg20: memref<!tpu.dma_semaphore, #tpu.memory_space<semaphore_mem>>, %arg21: memref<!tpu.dma_semaphore, #tpu.memory_space<semaphore_mem>>, %arg22: memref<!tpu.dma_semaphore, #tpu.memory_space<semaphore_mem>>, %arg23: memref<!tpu.dma_semaphore, #tpu.memory_space<semaphore_mem>>) attributes {dimension_semantics = [#tpu.dimension_semantics<core_parallel>, #tpu.dimension_semantics<subcore_parallel>], iteration_bounds = array<i64: 2, 16>, scalar_prefetch = 0 : i64, scratch_operands = 18 : i64, tpu.core_type = #tpu.core_type<sc_vector_subcore>, window_params = [{transform_indices = #map}, {transform_indices = #map1}, {transform_indices = #map}, {transform_indices = #map2}]} {
    %run_scoped3A = arith.constant 0 : i32
    "tpu.region"() ({
      %run_scoped3A_82 = tpu.sem_alloc : memref<!tpu.dma_semaphore, #tpu.memory_space<semaphore_mem>>
      %dma_start3A_83 = arith.constant 0 : i32
      %dma_start3A_84 = arith.constant 0 : i32
      %dma_start3A_85 = tpu.memref_slice %arg3[%run_scoped3A, %arg0, %arg1, %dma_start3A_83, %dma_start3A_84] : memref<2x2x16x100x100xi32, #tpu.memory_space<hbm>> -> memref<1x1x1x100x100xi32, #tpu.memory_space<hbm>>
      %dma_start3A_86 = tpu.memref_squeeze %dma_start3A_85 : memref<1x1x1x100x100xi32, #tpu.memory_space<hbm>> -> memref<100x100xi32, #tpu.memory_space<hbm>>
      %dma_start3A_87 = arith.constant 0 : i32
      %dma_start3A_88 = arith.constant 0 : i32
      %dma_start3A_89 = tpu.memref_slice %arg3[%run_scoped3A, %arg0, %arg1, %dma_start3A_87, %dma_start3A_88] : memref<2x2x16x100x100xi32, #tpu.memory_space<hbm>> -> memref<1x1x1x100x100xi32, #tpu.memory_space<hbm>>
      %dma_start3A_90 = tpu.memref_squeeze %dma_start3A_89 : memref<1x1x1x100x100xi32, #tpu.memory_space<hbm>> -> memref<100x100xi32, #tpu.memory_space<hbm>>
      tpu.enqueue_dma source(%dma_start3A_90 : memref<100x100xi32, #tpu.memory_space<hbm>>) target(%arg6 : memref<100x100xi32, #tpu.memory_space<vmem>>) target_semaphore(%run_scoped3A_82 : memref<!tpu.dma_semaphore, #tpu.memory_space<semaphore_mem>>)
      %dma_wait3A_91 = arith.constant 0 : i32
      %dma_wait3A_92 = arith.constant 0 : i32
      %dma_wait3A_93 = tpu.memref_slice %arg3[%run_scoped3A, %arg0, %arg1, %dma_wait3A_91, %dma_wait3A_92] : memref<2x2x16x100x100xi32, #tpu.memory_space<hbm>> -> memref<1x1x1x100x100xi32, #tpu.memory_space<hbm>>
      %dma_wait3A_94 = tpu.memref_squeeze %dma_wait3A_93 : memref<1x1x1x100x100xi32, #tpu.memory_space<hbm>> -> memref<100x100xi32, #tpu.memory_space<hbm>>
      %dma_wait3A_95 = arith.constant 0 : i32
      %dma_wait3A_96 = arith.constant 0 : i32
      %dma_wait3A_97 = tpu.memref_slice %arg3[%run_scoped3A, %arg0, %arg1, %dma_wait3A_95, %dma_wait3A_96] : memref<2x2x16x100x100xi32, #tpu.memory_space<hbm>> -> memref<1x1x1x100x100xi32, #tpu.memory_space<hbm>>
      %dma_wait3A_98 = tpu.memref_squeeze %dma_wait3A_97 : memref<1x1x1x100x100xi32, #tpu.memory_space<hbm>> -> memref<100x100xi32, #tpu.memory_space<hbm>>
      tpu.wait_dma2 semaphore(%run_scoped3A_82 : memref<!tpu.dma_semaphore, #tpu.memory_space<semaphore_mem>>) src(%dma_wait3A_98 : memref<100x100xi32, #tpu.memory_space<hbm>>) dst(%arg6 : memref<100x100xi32, #tpu.memory_space<vmem>>)
      tpu.yield
    }) : () -> ()
    %run_scoped3A_0 = arith.constant 1 : i32
    "tpu.region"() ({
      %run_scoped3A_82 = tpu.sem_alloc : memref<!tpu.dma_semaphore, #tpu.memory_space<semaphore_mem>>
      %dma_start3A_83 = arith.constant 0 : i32
      %dma_start3A_84 = arith.constant 0 : i32
      %dma_start3A_85 = tpu.memref_slice %arg3[%run_scoped3A_0, %arg0, %arg1, %dma_start3A_83, %dma_start3A_84] : memref<2x2x16x100x100xi32, #tpu.memory_space<hbm>> -> memref<1x1x1x100x100xi32, #tpu.memory_space<hbm>>
      %dma_start3A_86 = tpu.memref_squeeze %dma_start3A_85 : memref<1x1x1x100x100xi32, #tpu.memory_space<hbm>> -> memref<100x100xi32, #tpu.memory_space<hbm>>
      %dma_start3A_87 = arith.constant 0 : i32
      %dma_start3A_88 = arith.constant 0 : i32
      %dma_start3A_89 = tpu.memref_slice %arg3[%run_scoped3A_0, %arg0, %arg1, %dma_start3A_87, %dma_start3A_88] : memref<2x2x16x100x100xi32, #tpu.memory_space<hbm>> -> memref<1x1x1x100x100xi32, #tpu.memory_space<hbm>>
      %dma_start3A_90 = tpu.memref_squeeze %dma_start3A_89 : memref<1x1x1x100x100xi32, #tpu.memory_space<hbm>> -> memref<100x100xi32, #tpu.memory_space<hbm>>
      tpu.enqueue_dma source(%dma_start3A_90 : memref<100x100xi32, #tpu.memory_space<hbm>>) target(%arg7 : memref<100x100xi32, #tpu.memory_space<vmem>>) target_semaphore(%run_scoped3A_82 : memref<!tpu.dma_semaphore, #tpu.memory_space<semaphore_mem>>)
      %dma_wait3A_91 = arith.constant 0 : i32
      %dma_wait3A_92 = arith.constant 0 : i32
      %dma_wait3A_93 = tpu.memref_slice %arg3[%run_scoped3A_0, %arg0, %arg1, %dma_wait3A_91, %dma_wait3A_92] : memref<2x2x16x100x100xi32, #tpu.memory_space<hbm>> -> memref<1x1x1x100x100xi32, #tpu.memory_space<hbm>>
      %dma_wait3A_94 = tpu.memref_squeeze %dma_wait3A_93 : memref<1x1x1x100x100xi32, #tpu.memory_space<hbm>> -> memref<100x100xi32, #tpu.memory_space<hbm>>
      %dma_wait3A_95 = arith.constant 0 : i32
      %dma_wait3A_96 = arith.constant 0 : i32
      %dma_wait3A_97 = tpu.memref_slice %arg3[%run_scoped3A_0, %arg0, %arg1, %dma_wait3A_95, %dma_wait3A_96] : memref<2x2x16x100x100xi32, #tpu.memory_space<hbm>> -> memref<1x1x1x100x100xi32, #tpu.memory_space<hbm>>
      %dma_wait3A_98 = tpu.memref_squeeze %dma_wait3A_97 : memref<1x1x1x100x100xi32, #tpu.memory_space<hbm>> -> memref<100x100xi32, #tpu.memory_space<hbm>>
      tpu.wait_dma2 semaphore(%run_scoped3A_82 : memref<!tpu.dma_semaphore, #tpu.memory_space<semaphore_mem>>) src(%dma_wait3A_98 : memref<100x100xi32, #tpu.memory_space<hbm>>) dst(%arg7 : memref<100x100xi32, #tpu.memory_space<vmem>>)
      tpu.yield
    }) : () -> ()
    %dma_start3A = arith.constant 0 : i32
    %dma_start3A_1 = arith.constant 0 : i32
    %dma_start3A_2 = tpu.memref_slice %arg6[%dma_start3A, %dma_start3A_1] : memref<100x100xi32, #tpu.memory_space<vmem>> -> memref<1x100xi32, #tpu.memory_space<vmem>>
    %dma_start3A_3 = tpu.memref_squeeze %dma_start3A_2 : memref<1x100xi32, #tpu.memory_space<vmem>> -> memref<100xi32, #tpu.memory_space<vmem>>
    %dma_start3A_4 = arith.constant 0 : i32
    %dma_start3A_5 = arith.constant 0 : i32
    %dma_start3A_6 = tpu.memref_slice %arg2[%dma_start3A_4, %dma_start3A_5] : memref<10000x48xf32, #tpu.memory_space<hbm>> -> memref<10000x48xf32, #tpu.memory_space<hbm>>
    tpu.enqueue_indirect_dma source(%dma_start3A_6 : memref<10000x48xf32, #tpu.memory_space<hbm>>) target(%arg8 : memref<100x48xf32, #tpu.memory_space<vmem>>) offsets(%dma_start3A_3 : memref<100xi32, #tpu.memory_space<vmem>>) semaphore(%arg14 : memref<!tpu.dma_semaphore, #tpu.memory_space<semaphore_mem>>)
    %dma_start3A_7 = arith.constant 1 : i32
    %dma_start3A_8 = arith.constant 0 : i32
    %dma_start3A_9 = tpu.memref_slice %arg6[%dma_start3A_7, %dma_start3A_8] : memref<100x100xi32, #tpu.memory_space<vmem>> -> memref<1x100xi32, #tpu.memory_space<vmem>>
    %dma_start3A_10 = tpu.memref_squeeze %dma_start3A_9 : memref<1x100xi32, #tpu.memory_space<vmem>> -> memref<100xi32, #tpu.memory_space<vmem>>
    %dma_start3A_11 = arith.constant 0 : i32
    %dma_start3A_12 = arith.constant 0 : i32
    %dma_start3A_13 = tpu.memref_slice %arg2[%dma_start3A_11, %dma_start3A_12] : memref<10000x48xf32, #tpu.memory_space<hbm>> -> memref<10000x48xf32, #tpu.memory_space<hbm>>
    tpu.enqueue_indirect_dma source(%dma_start3A_13 : memref<10000x48xf32, #tpu.memory_space<hbm>>) target(%arg9 : memref<100x48xf32, #tpu.memory_space<vmem>>) offsets(%dma_start3A_10 : memref<100xi32, #tpu.memory_space<vmem>>) semaphore(%arg15 : memref<!tpu.dma_semaphore, #tpu.memory_space<semaphore_mem>>)
    %dma_start3A_14 = arith.constant 2 : i32
    %dma_start3A_15 = arith.constant 0 : i32
    %dma_start3A_16 = tpu.memref_slice %arg6[%dma_start3A_14, %dma_start3A_15] : memref<100x100xi32, #tpu.memory_space<vmem>> -> memref<1x100xi32, #tpu.memory_space<vmem>>
    %dma_start3A_17 = tpu.memref_squeeze %dma_start3A_16 : memref<1x100xi32, #tpu.memory_space<vmem>> -> memref<100xi32, #tpu.memory_space<vmem>>
    %dma_start3A_18 = arith.constant 0 : i32
    %dma_start3A_19 = arith.constant 0 : i32
    %dma_start3A_20 = tpu.memref_slice %arg2[%dma_start3A_18, %dma_start3A_19] : memref<10000x48xf32, #tpu.memory_space<hbm>> -> memref<10000x48xf32, #tpu.memory_space<hbm>>
    tpu.enqueue_indirect_dma source(%dma_start3A_20 : memref<10000x48xf32, #tpu.memory_space<hbm>>) target(%arg10 : memref<100x48xf32, #tpu.memory_space<vmem>>) offsets(%dma_start3A_17 : memref<100xi32, #tpu.memory_space<vmem>>) semaphore(%arg16 : memref<!tpu.dma_semaphore, #tpu.memory_space<semaphore_mem>>)
    %dma_start3A_21 = arith.constant 3 : i32
    %dma_start3A_22 = arith.constant 0 : i32
    %dma_start3A_23 = tpu.memref_slice %arg6[%dma_start3A_21, %dma_start3A_22] : memref<100x100xi32, #tpu.memory_space<vmem>> -> memref<1x100xi32, #tpu.memory_space<vmem>>
    %dma_start3A_24 = tpu.memref_squeeze %dma_start3A_23 : memref<1x100xi32, #tpu.memory_space<vmem>> -> memref<100xi32, #tpu.memory_space<vmem>>
    %dma_start3A_25 = arith.constant 0 : i32
    %dma_start3A_26 = arith.constant 0 : i32
    %dma_start3A_27 = tpu.memref_slice %arg2[%dma_start3A_25, %dma_start3A_26] : memref<10000x48xf32, #tpu.memory_space<hbm>> -> memref<10000x48xf32, #tpu.memory_space<hbm>>
    tpu.enqueue_indirect_dma source(%dma_start3A_27 : memref<10000x48xf32, #tpu.memory_space<hbm>>) target(%arg11 : memref<100x48xf32, #tpu.memory_space<vmem>>) offsets(%dma_start3A_24 : memref<100xi32, #tpu.memory_space<vmem>>) semaphore(%arg17 : memref<!tpu.dma_semaphore, #tpu.memory_space<semaphore_mem>>)
    %dma_start3A_28 = arith.constant 4 : i32
    %dma_start3A_29 = arith.constant 0 : i32
    %dma_start3A_30 = tpu.memref_slice %arg6[%dma_start3A_28, %dma_start3A_29] : memref<100x100xi32, #tpu.memory_space<vmem>> -> memref<1x100xi32, #tpu.memory_space<vmem>>
    %dma_start3A_31 = tpu.memref_squeeze %dma_start3A_30 : memref<1x100xi32, #tpu.memory_space<vmem>> -> memref<100xi32, #tpu.memory_space<vmem>>
    %dma_start3A_32 = arith.constant 0 : i32
    %dma_start3A_33 = arith.constant 0 : i32
    %dma_start3A_34 = tpu.memref_slice %arg2[%dma_start3A_32, %dma_start3A_33] : memref<10000x48xf32, #tpu.memory_space<hbm>> -> memref<10000x48xf32, #tpu.memory_space<hbm>>
    tpu.enqueue_indirect_dma source(%dma_start3A_34 : memref<10000x48xf32, #tpu.memory_space<hbm>>) target(%arg12 : memref<100x48xf32, #tpu.memory_space<vmem>>) offsets(%dma_start3A_31 : memref<100xi32, #tpu.memory_space<vmem>>) semaphore(%arg18 : memref<!tpu.dma_semaphore, #tpu.memory_space<semaphore_mem>>)
    %mul3A = arith.constant 624 : i32
    %mul3A_35 = arith.muli %arg1, %mul3A : i32
    %multiple_of3A = tpu.assume_multiple %mul3A_35, 8 : i32
    "tpu.region"() ({
      %run_scoped3A_82 = tpu.sem_alloc : memref<!tpu.dma_semaphore, #tpu.memory_space<semaphore_mem>>
      %dma_start3A_83 = arith.constant 0 : i32
      %dma_start3A_84 = tpu.memref_slice %arg13[%multiple_of3A, %dma_start3A_83] : memref<10000x48xf32, #tpu.memory_space<vmem_shared>> -> memref<624x48xf32, #tpu.memory_space<vmem_shared>>
      %dma_start3A_85 = arith.constant 0 : i32
      %dma_start3A_86 = tpu.memref_slice %arg4[%multiple_of3A, %dma_start3A_85] : memref<10000x48xf32, #tpu.memory_space<hbm>> -> memref<624x48xf32, #tpu.memory_space<hbm>>
      tpu.enqueue_dma source(%dma_start3A_86 : memref<624x48xf32, #tpu.memory_space<hbm>>) target(%dma_start3A_84 : memref<624x48xf32, #tpu.memory_space<vmem_shared>>) target_semaphore(%run_scoped3A_82 : memref<!tpu.dma_semaphore, #tpu.memory_space<semaphore_mem>>)
      %dma_wait3A_87 = arith.constant 0 : i32
      %dma_wait3A_88 = tpu.memref_slice %arg13[%multiple_of3A, %dma_wait3A_87] : memref<10000x48xf32, #tpu.memory_space<vmem_shared>> -> memref<624x48xf32, #tpu.memory_space<vmem_shared>>
      %dma_wait3A_89 = arith.constant 0 : i32
      %dma_wait3A_90 = tpu.memref_slice %arg4[%multiple_of3A, %dma_wait3A_89] : memref<10000x48xf32, #tpu.memory_space<hbm>> -> memref<624x48xf32, #tpu.memory_space<hbm>>
      tpu.wait_dma2 semaphore(%run_scoped3A_82 : memref<!tpu.dma_semaphore, #tpu.memory_space<semaphore_mem>>) src(%dma_wait3A_90 : memref<624x48xf32, #tpu.memory_space<hbm>>) dst(%dma_wait3A_88 : memref<624x48xf32, #tpu.memory_space<vmem_shared>>)
      tpu.yield
    }) : () -> ()
    %eq3A = arith.constant 0 : i32
    %eq3A_36 = arith.cmpi eq, %arg1, %eq3A : i32
    %convert_element_type3A = arith.extui %eq3A_36 : i1 to i32
    %cond3A = arith.constant 0 : i32
    %cond3A_37 = arith.cmpi ne, %convert_element_type3A, %cond3A : i32
    scf.if %cond3A_37 {
      "tpu.region"() ({
        %run_scoped3A_82 = tpu.sem_alloc : memref<!tpu.dma_semaphore, #tpu.memory_space<semaphore_mem>>
        %dma_start3A_83 = arith.constant 9984 : i32
        %dma_start3A_84 = arith.constant 0 : i32
        %dma_start3A_85 = tpu.memref_slice %arg13[%dma_start3A_83, %dma_start3A_84] : memref<10000x48xf32, #tpu.memory_space<vmem_shared>> -> memref<16x48xf32, #tpu.memory_space<vmem_shared>>
        %dma_start3A_86 = arith.constant 9984 : i32
        %dma_start3A_87 = arith.constant 0 : i32
        %dma_start3A_88 = tpu.memref_slice %arg4[%dma_start3A_86, %dma_start3A_87] : memref<10000x48xf32, #tpu.memory_space<hbm>> -> memref<16x48xf32, #tpu.memory_space<hbm>>
        tpu.enqueue_dma source(%dma_start3A_88 : memref<16x48xf32, #tpu.memory_space<hbm>>) target(%dma_start3A_85 : memref<16x48xf32, #tpu.memory_space<vmem_shared>>) target_semaphore(%run_scoped3A_82 : memref<!tpu.dma_semaphore, #tpu.memory_space<semaphore_mem>>)
        %dma_wait3A_89 = arith.constant 9984 : i32
        %dma_wait3A_90 = arith.constant 0 : i32
        %dma_wait3A_91 = tpu.memref_slice %arg13[%dma_wait3A_89, %dma_wait3A_90] : memref<10000x48xf32, #tpu.memory_space<vmem_shared>> -> memref<16x48xf32, #tpu.memory_space<vmem_shared>>
        %dma_wait3A_92 = arith.constant 9984 : i32
        %dma_wait3A_93 = arith.constant 0 : i32
        %dma_wait3A_94 = tpu.memref_slice %arg4[%dma_wait3A_92, %dma_wait3A_93] : memref<10000x48xf32, #tpu.memory_space<hbm>> -> memref<16x48xf32, #tpu.memory_space<hbm>>
        tpu.wait_dma2 semaphore(%run_scoped3A_82 : memref<!tpu.dma_semaphore, #tpu.memory_space<semaphore_mem>>) src(%dma_wait3A_94 : memref<16x48xf32, #tpu.memory_space<hbm>>) dst(%dma_wait3A_91 : memref<16x48xf32, #tpu.memory_space<vmem_shared>>)
        tpu.yield
      }) : () -> ()
    } else {
    }
    %barrier3A = arith.constant 0 : index
    tpu.barrier barrier_id(%barrier3A)
    %scan3A = arith.constant 0 : i32
    %scan3A_38 = arith.constant 20 : i32
    %scan3A_39 = arith.addi %scan3A, %scan3A_38 : i32
    %scan3A_40 = arith.constant 1 : i32
    scf.for %scan3A_82 = %scan3A to %scan3A_39 step %scan3A_40  : i32 {
      %mul3A_83 = arith.constant 5 : i32
      %mul3A_84 = arith.muli %scan3A_82, %mul3A_83 : i32
      %add3A = arith.constant 0 : i32
      %add3A_85 = arith.addi %add3A, %mul3A_84 : i32
      %add3A_86 = arith.constant 0 : i32
      %add3A_87 = arith.addi %add3A_85, %add3A_86 : i32
      %dma_wait3A_88 = arith.constant 0 : i32
      %dma_wait3A_89 = tpu.memref_slice %arg6[%add3A_87, %dma_wait3A_88] : memref<100x100xi32, #tpu.memory_space<vmem>> -> memref<1x100xi32, #tpu.memory_space<vmem>>
      %dma_wait3A_90 = tpu.memref_squeeze %dma_wait3A_89 : memref<1x100xi32, #tpu.memory_space<vmem>> -> memref<100xi32, #tpu.memory_space<vmem>>
      %dma_wait3A_91 = arith.constant 0 : i32
      %dma_wait3A_92 = arith.constant 0 : i32
      %dma_wait3A_93 = tpu.memref_slice %arg2[%dma_wait3A_91, %dma_wait3A_92] : memref<10000x48xf32, #tpu.memory_space<hbm>> -> memref<10000x48xf32, #tpu.memory_space<hbm>>
      tpu.wait_indirect_dma semaphore(%arg14 : memref<!tpu.dma_semaphore, #tpu.memory_space<semaphore_mem>>) src(%dma_wait3A_93 : memref<10000x48xf32, #tpu.memory_space<hbm>>) dst(%arg8 : memref<100x48xf32, #tpu.memory_space<vmem>>)
      %dma_start3A_94 = arith.constant 0 : i32
      %dma_start3A_95 = tpu.memref_slice %arg7[%add3A_87, %dma_start3A_94] : memref<100x100xi32, #tpu.memory_space<vmem>> -> memref<1x100xi32, #tpu.memory_space<vmem>>
      %dma_start3A_96 = tpu.memref_squeeze %dma_start3A_95 : memref<1x100xi32, #tpu.memory_space<vmem>> -> memref<100xi32, #tpu.memory_space<vmem>>
      %dma_start3A_97 = arith.constant 0 : i32
      %dma_start3A_98 = arith.constant 0 : i32
      %dma_start3A_99 = tpu.memref_slice %arg13[%dma_start3A_97, %dma_start3A_98] : memref<10000x48xf32, #tpu.memory_space<vmem_shared>> -> memref<10000x48xf32, #tpu.memory_space<vmem_shared>>
      tpu.enqueue_indirect_dma source(%arg8 : memref<100x48xf32, #tpu.memory_space<vmem>>) target(%dma_start3A_99 : memref<10000x48xf32, #tpu.memory_space<vmem_shared>>) offsets(%dma_start3A_96 : memref<100xi32, #tpu.memory_space<vmem>>) semaphore(%arg19 : memref<!tpu.dma_semaphore, #tpu.memory_space<semaphore_mem>>) {add = true}
      %add3A_100 = arith.constant 5 : i32
      %add3A_101 = arith.addi %add3A_87, %add3A_100 : i32
      %lt3A = arith.constant 100 : i32
      %lt3A_102 = arith.cmpi slt, %add3A_101, %lt3A : i32
      %convert_element_type3A_103 = arith.extui %lt3A_102 : i1 to i32
      %cond3A_104 = arith.constant 0 : i32
      %cond3A_105 = arith.cmpi ne, %convert_element_type3A_103, %cond3A_104 : i32
      scf.if %cond3A_105 {
        %dma_wait3A_190 = arith.constant 0 : i32
        %dma_wait3A_191 = tpu.memref_slice %arg7[%add3A_87, %dma_wait3A_190] : memref<100x100xi32, #tpu.memory_space<vmem>> -> memref<1x100xi32, #tpu.memory_space<vmem>>
        %dma_wait3A_192 = tpu.memref_squeeze %dma_wait3A_191 : memref<1x100xi32, #tpu.memory_space<vmem>> -> memref<100xi32, #tpu.memory_space<vmem>>
        %dma_wait3A_193 = arith.constant 0 : i32
        %dma_wait3A_194 = arith.constant 0 : i32
        %dma_wait3A_195 = tpu.memref_slice %arg13[%dma_wait3A_193, %dma_wait3A_194] : memref<10000x48xf32, #tpu.memory_space<vmem_shared>> -> memref<10000x48xf32, #tpu.memory_space<vmem_shared>>
        tpu.wait_indirect_dma semaphore(%arg19 : memref<!tpu.dma_semaphore, #tpu.memory_space<semaphore_mem>>) src(%arg8 : memref<100x48xf32, #tpu.memory_space<vmem>>) dst(%dma_wait3A_195 : memref<10000x48xf32, #tpu.memory_space<vmem_shared>>)
        %dma_start3A_196 = arith.constant 0 : i32
        %dma_start3A_197 = tpu.memref_slice %arg6[%add3A_101, %dma_start3A_196] : memref<100x100xi32, #tpu.memory_space<vmem>> -> memref<1x100xi32, #tpu.memory_space<vmem>>
        %dma_start3A_198 = tpu.memref_squeeze %dma_start3A_197 : memref<1x100xi32, #tpu.memory_space<vmem>> -> memref<100xi32, #tpu.memory_space<vmem>>
        %dma_start3A_199 = arith.constant 0 : i32
        %dma_start3A_200 = arith.constant 0 : i32
        %dma_start3A_201 = tpu.memref_slice %arg2[%dma_start3A_199, %dma_start3A_200] : memref<10000x48xf32, #tpu.memory_space<hbm>> -> memref<10000x48xf32, #tpu.memory_space<hbm>>
        tpu.enqueue_indirect_dma source(%dma_start3A_201 : memref<10000x48xf32, #tpu.memory_space<hbm>>) target(%arg8 : memref<100x48xf32, #tpu.memory_space<vmem>>) offsets(%dma_start3A_198 : memref<100xi32, #tpu.memory_space<vmem>>) semaphore(%arg14 : memref<!tpu.dma_semaphore, #tpu.memory_space<semaphore_mem>>)
      } else {
      }
      %add3A_106 = arith.constant 1 : i32
      %add3A_107 = arith.addi %add3A_85, %add3A_106 : i32
      %dma_wait3A_108 = arith.constant 0 : i32
      %dma_wait3A_109 = tpu.memref_slice %arg6[%add3A_107, %dma_wait3A_108] : memref<100x100xi32, #tpu.memory_space<vmem>> -> memref<1x100xi32, #tpu.memory_space<vmem>>
      %dma_wait3A_110 = tpu.memref_squeeze %dma_wait3A_109 : memref<1x100xi32, #tpu.memory_space<vmem>> -> memref<100xi32, #tpu.memory_space<vmem>>
      %dma_wait3A_111 = arith.constant 0 : i32
      %dma_wait3A_112 = arith.constant 0 : i32
      %dma_wait3A_113 = tpu.memref_slice %arg2[%dma_wait3A_111, %dma_wait3A_112] : memref<10000x48xf32, #tpu.memory_space<hbm>> -> memref<10000x48xf32, #tpu.memory_space<hbm>>
      tpu.wait_indirect_dma semaphore(%arg15 : memref<!tpu.dma_semaphore, #tpu.memory_space<semaphore_mem>>) src(%dma_wait3A_113 : memref<10000x48xf32, #tpu.memory_space<hbm>>) dst(%arg9 : memref<100x48xf32, #tpu.memory_space<vmem>>)
      %dma_start3A_114 = arith.constant 0 : i32
      %dma_start3A_115 = tpu.memref_slice %arg7[%add3A_107, %dma_start3A_114] : memref<100x100xi32, #tpu.memory_space<vmem>> -> memref<1x100xi32, #tpu.memory_space<vmem>>
      %dma_start3A_116 = tpu.memref_squeeze %dma_start3A_115 : memref<1x100xi32, #tpu.memory_space<vmem>> -> memref<100xi32, #tpu.memory_space<vmem>>
      %dma_start3A_117 = arith.constant 0 : i32
      %dma_start3A_118 = arith.constant 0 : i32
      %dma_start3A_119 = tpu.memref_slice %arg13[%dma_start3A_117, %dma_start3A_118] : memref<10000x48xf32, #tpu.memory_space<vmem_shared>> -> memref<10000x48xf32, #tpu.memory_space<vmem_shared>>
      tpu.enqueue_indirect_dma source(%arg9 : memref<100x48xf32, #tpu.memory_space<vmem>>) target(%dma_start3A_119 : memref<10000x48xf32, #tpu.memory_space<vmem_shared>>) offsets(%dma_start3A_116 : memref<100xi32, #tpu.memory_space<vmem>>) semaphore(%arg20 : memref<!tpu.dma_semaphore, #tpu.memory_space<semaphore_mem>>) {add = true}
      %add3A_120 = arith.constant 5 : i32
      %add3A_121 = arith.addi %add3A_107, %add3A_120 : i32
      %lt3A_122 = arith.constant 100 : i32
      %lt3A_123 = arith.cmpi slt, %add3A_121, %lt3A_122 : i32
      %convert_element_type3A_124 = arith.extui %lt3A_123 : i1 to i32
      %cond3A_125 = arith.constant 0 : i32
      %cond3A_126 = arith.cmpi ne, %convert_element_type3A_124, %cond3A_125 : i32
      scf.if %cond3A_126 {
        %dma_wait3A_190 = arith.constant 0 : i32
        %dma_wait3A_191 = tpu.memref_slice %arg7[%add3A_107, %dma_wait3A_190] : memref<100x100xi32, #tpu.memory_space<vmem>> -> memref<1x100xi32, #tpu.memory_space<vmem>>
        %dma_wait3A_192 = tpu.memref_squeeze %dma_wait3A_191 : memref<1x100xi32, #tpu.memory_space<vmem>> -> memref<100xi32, #tpu.memory_space<vmem>>
        %dma_wait3A_193 = arith.constant 0 : i32
        %dma_wait3A_194 = arith.constant 0 : i32
        %dma_wait3A_195 = tpu.memref_slice %arg13[%dma_wait3A_193, %dma_wait3A_194] : memref<10000x48xf32, #tpu.memory_space<vmem_shared>> -> memref<10000x48xf32, #tpu.memory_space<vmem_shared>>
        tpu.wait_indirect_dma semaphore(%arg20 : memref<!tpu.dma_semaphore, #tpu.memory_space<semaphore_mem>>) src(%arg9 : memref<100x48xf32, #tpu.memory_space<vmem>>) dst(%dma_wait3A_195 : memref<10000x48xf32, #tpu.memory_space<vmem_shared>>)
        %dma_start3A_196 = arith.constant 0 : i32
        %dma_start3A_197 = tpu.memref_slice %arg6[%add3A_121, %dma_start3A_196] : memref<100x100xi32, #tpu.memory_space<vmem>> -> memref<1x100xi32, #tpu.memory_space<vmem>>
        %dma_start3A_198 = tpu.memref_squeeze %dma_start3A_197 : memref<1x100xi32, #tpu.memory_space<vmem>> -> memref<100xi32, #tpu.memory_space<vmem>>
        %dma_start3A_199 = arith.constant 0 : i32
        %dma_start3A_200 = arith.constant 0 : i32
        %dma_start3A_201 = tpu.memref_slice %arg2[%dma_start3A_199, %dma_start3A_200] : memref<10000x48xf32, #tpu.memory_space<hbm>> -> memref<10000x48xf32, #tpu.memory_space<hbm>>
        tpu.enqueue_indirect_dma source(%dma_start3A_201 : memref<10000x48xf32, #tpu.memory_space<hbm>>) target(%arg9 : memref<100x48xf32, #tpu.memory_space<vmem>>) offsets(%dma_start3A_198 : memref<100xi32, #tpu.memory_space<vmem>>) semaphore(%arg15 : memref<!tpu.dma_semaphore, #tpu.memory_space<semaphore_mem>>)
      } else {
      }
      %add3A_127 = arith.constant 2 : i32
      %add3A_128 = arith.addi %add3A_85, %add3A_127 : i32
      %dma_wait3A_129 = arith.constant 0 : i32
      %dma_wait3A_130 = tpu.memref_slice %arg6[%add3A_128, %dma_wait3A_129] : memref<100x100xi32, #tpu.memory_space<vmem>> -> memref<1x100xi32, #tpu.memory_space<vmem>>
      %dma_wait3A_131 = tpu.memref_squeeze %dma_wait3A_130 : memref<1x100xi32, #tpu.memory_space<vmem>> -> memref<100xi32, #tpu.memory_space<vmem>>
      %dma_wait3A_132 = arith.constant 0 : i32
      %dma_wait3A_133 = arith.constant 0 : i32
      %dma_wait3A_134 = tpu.memref_slice %arg2[%dma_wait3A_132, %dma_wait3A_133] : memref<10000x48xf32, #tpu.memory_space<hbm>> -> memref<10000x48xf32, #tpu.memory_space<hbm>>
      tpu.wait_indirect_dma semaphore(%arg16 : memref<!tpu.dma_semaphore, #tpu.memory_space<semaphore_mem>>) src(%dma_wait3A_134 : memref<10000x48xf32, #tpu.memory_space<hbm>>) dst(%arg10 : memref<100x48xf32, #tpu.memory_space<vmem>>)
      %dma_start3A_135 = arith.constant 0 : i32
      %dma_start3A_136 = tpu.memref_slice %arg7[%add3A_128, %dma_start3A_135] : memref<100x100xi32, #tpu.memory_space<vmem>> -> memref<1x100xi32, #tpu.memory_space<vmem>>
      %dma_start3A_137 = tpu.memref_squeeze %dma_start3A_136 : memref<1x100xi32, #tpu.memory_space<vmem>> -> memref<100xi32, #tpu.memory_space<vmem>>
      %dma_start3A_138 = arith.constant 0 : i32
      %dma_start3A_139 = arith.constant 0 : i32
      %dma_start3A_140 = tpu.memref_slice %arg13[%dma_start3A_138, %dma_start3A_139] : memref<10000x48xf32, #tpu.memory_space<vmem_shared>> -> memref<10000x48xf32, #tpu.memory_space<vmem_shared>>
      tpu.enqueue_indirect_dma source(%arg10 : memref<100x48xf32, #tpu.memory_space<vmem>>) target(%dma_start3A_140 : memref<10000x48xf32, #tpu.memory_space<vmem_shared>>) offsets(%dma_start3A_137 : memref<100xi32, #tpu.memory_space<vmem>>) semaphore(%arg21 : memref<!tpu.dma_semaphore, #tpu.memory_space<semaphore_mem>>) {add = true}
      %add3A_141 = arith.constant 5 : i32
      %add3A_142 = arith.addi %add3A_128, %add3A_141 : i32
      %lt3A_143 = arith.constant 100 : i32
      %lt3A_144 = arith.cmpi slt, %add3A_142, %lt3A_143 : i32
      %convert_element_type3A_145 = arith.extui %lt3A_144 : i1 to i32
      %cond3A_146 = arith.constant 0 : i32
      %cond3A_147 = arith.cmpi ne, %convert_element_type3A_145, %cond3A_146 : i32
      scf.if %cond3A_147 {
        %dma_wait3A_190 = arith.constant 0 : i32
        %dma_wait3A_191 = tpu.memref_slice %arg7[%add3A_128, %dma_wait3A_190] : memref<100x100xi32, #tpu.memory_space<vmem>> -> memref<1x100xi32, #tpu.memory_space<vmem>>
        %dma_wait3A_192 = tpu.memref_squeeze %dma_wait3A_191 : memref<1x100xi32, #tpu.memory_space<vmem>> -> memref<100xi32, #tpu.memory_space<vmem>>
        %dma_wait3A_193 = arith.constant 0 : i32
        %dma_wait3A_194 = arith.constant 0 : i32
        %dma_wait3A_195 = tpu.memref_slice %arg13[%dma_wait3A_193, %dma_wait3A_194] : memref<10000x48xf32, #tpu.memory_space<vmem_shared>> -> memref<10000x48xf32, #tpu.memory_space<vmem_shared>>
        tpu.wait_indirect_dma semaphore(%arg21 : memref<!tpu.dma_semaphore, #tpu.memory_space<semaphore_mem>>) src(%arg10 : memref<100x48xf32, #tpu.memory_space<vmem>>) dst(%dma_wait3A_195 : memref<10000x48xf32, #tpu.memory_space<vmem_shared>>)
        %dma_start3A_196 = arith.constant 0 : i32
        %dma_start3A_197 = tpu.memref_slice %arg6[%add3A_142, %dma_start3A_196] : memref<100x100xi32, #tpu.memory_space<vmem>> -> memref<1x100xi32, #tpu.memory_space<vmem>>
        %dma_start3A_198 = tpu.memref_squeeze %dma_start3A_197 : memref<1x100xi32, #tpu.memory_space<vmem>> -> memref<100xi32, #tpu.memory_space<vmem>>
        %dma_start3A_199 = arith.constant 0 : i32
        %dma_start3A_200 = arith.constant 0 : i32
        %dma_start3A_201 = tpu.memref_slice %arg2[%dma_start3A_199, %dma_start3A_200] : memref<10000x48xf32, #tpu.memory_space<hbm>> -> memref<10000x48xf32, #tpu.memory_space<hbm>>
        tpu.enqueue_indirect_dma source(%dma_start3A_201 : memref<10000x48xf32, #tpu.memory_space<hbm>>) target(%arg10 : memref<100x48xf32, #tpu.memory_space<vmem>>) offsets(%dma_start3A_198 : memref<100xi32, #tpu.memory_space<vmem>>) semaphore(%arg16 : memref<!tpu.dma_semaphore, #tpu.memory_space<semaphore_mem>>)
      } else {
      }
      %add3A_148 = arith.constant 3 : i32
      %add3A_149 = arith.addi %add3A_85, %add3A_148 : i32
      %dma_wait3A_150 = arith.constant 0 : i32
      %dma_wait3A_151 = tpu.memref_slice %arg6[%add3A_149, %dma_wait3A_150] : memref<100x100xi32, #tpu.memory_space<vmem>> -> memref<1x100xi32, #tpu.memory_space<vmem>>
      %dma_wait3A_152 = tpu.memref_squeeze %dma_wait3A_151 : memref<1x100xi32, #tpu.memory_space<vmem>> -> memref<100xi32, #tpu.memory_space<vmem>>
      %dma_wait3A_153 = arith.constant 0 : i32
      %dma_wait3A_154 = arith.constant 0 : i32
      %dma_wait3A_155 = tpu.memref_slice %arg2[%dma_wait3A_153, %dma_wait3A_154] : memref<10000x48xf32, #tpu.memory_space<hbm>> -> memref<10000x48xf32, #tpu.memory_space<hbm>>
      tpu.wait_indirect_dma semaphore(%arg17 : memref<!tpu.dma_semaphore, #tpu.memory_space<semaphore_mem>>) src(%dma_wait3A_155 : memref<10000x48xf32, #tpu.memory_space<hbm>>) dst(%arg11 : memref<100x48xf32, #tpu.memory_space<vmem>>)
      %dma_start3A_156 = arith.constant 0 : i32
      %dma_start3A_157 = tpu.memref_slice %arg7[%add3A_149, %dma_start3A_156] : memref<100x100xi32, #tpu.memory_space<vmem>> -> memref<1x100xi32, #tpu.memory_space<vmem>>
      %dma_start3A_158 = tpu.memref_squeeze %dma_start3A_157 : memref<1x100xi32, #tpu.memory_space<vmem>> -> memref<100xi32, #tpu.memory_space<vmem>>
      %dma_start3A_159 = arith.constant 0 : i32
      %dma_start3A_160 = arith.constant 0 : i32
      %dma_start3A_161 = tpu.memref_slice %arg13[%dma_start3A_159, %dma_start3A_160] : memref<10000x48xf32, #tpu.memory_space<vmem_shared>> -> memref<10000x48xf32, #tpu.memory_space<vmem_shared>>
      tpu.enqueue_indirect_dma source(%arg11 : memref<100x48xf32, #tpu.memory_space<vmem>>) target(%dma_start3A_161 : memref<10000x48xf32, #tpu.memory_space<vmem_shared>>) offsets(%dma_start3A_158 : memref<100xi32, #tpu.memory_space<vmem>>) semaphore(%arg22 : memref<!tpu.dma_semaphore, #tpu.memory_space<semaphore_mem>>) {add = true}
      %add3A_162 = arith.constant 5 : i32
      %add3A_163 = arith.addi %add3A_149, %add3A_162 : i32
      %lt3A_164 = arith.constant 100 : i32
      %lt3A_165 = arith.cmpi slt, %add3A_163, %lt3A_164 : i32
      %convert_element_type3A_166 = arith.extui %lt3A_165 : i1 to i32
      %cond3A_167 = arith.constant 0 : i32
      %cond3A_168 = arith.cmpi ne, %convert_element_type3A_166, %cond3A_167 : i32
      scf.if %cond3A_168 {
        %dma_wait3A_190 = arith.constant 0 : i32
        %dma_wait3A_191 = tpu.memref_slice %arg7[%add3A_149, %dma_wait3A_190] : memref<100x100xi32, #tpu.memory_space<vmem>> -> memref<1x100xi32, #tpu.memory_space<vmem>>
        %dma_wait3A_192 = tpu.memref_squeeze %dma_wait3A_191 : memref<1x100xi32, #tpu.memory_space<vmem>> -> memref<100xi32, #tpu.memory_space<vmem>>
        %dma_wait3A_193 = arith.constant 0 : i32
        %dma_wait3A_194 = arith.constant 0 : i32
        %dma_wait3A_195 = tpu.memref_slice %arg13[%dma_wait3A_193, %dma_wait3A_194] : memref<10000x48xf32, #tpu.memory_space<vmem_shared>> -> memref<10000x48xf32, #tpu.memory_space<vmem_shared>>
        tpu.wait_indirect_dma semaphore(%arg22 : memref<!tpu.dma_semaphore, #tpu.memory_space<semaphore_mem>>) src(%arg11 : memref<100x48xf32, #tpu.memory_space<vmem>>) dst(%dma_wait3A_195 : memref<10000x48xf32, #tpu.memory_space<vmem_shared>>)
        %dma_start3A_196 = arith.constant 0 : i32
        %dma_start3A_197 = tpu.memref_slice %arg6[%add3A_163, %dma_start3A_196] : memref<100x100xi32, #tpu.memory_space<vmem>> -> memref<1x100xi32, #tpu.memory_space<vmem>>
        %dma_start3A_198 = tpu.memref_squeeze %dma_start3A_197 : memref<1x100xi32, #tpu.memory_space<vmem>> -> memref<100xi32, #tpu.memory_space<vmem>>
        %dma_start3A_199 = arith.constant 0 : i32
        %dma_start3A_200 = arith.constant 0 : i32
        %dma_start3A_201 = tpu.memref_slice %arg2[%dma_start3A_199, %dma_start3A_200] : memref<10000x48xf32, #tpu.memory_space<hbm>> -> memref<10000x48xf32, #tpu.memory_space<hbm>>
        tpu.enqueue_indirect_dma source(%dma_start3A_201 : memref<10000x48xf32, #tpu.memory_space<hbm>>) target(%arg11 : memref<100x48xf32, #tpu.memory_space<vmem>>) offsets(%dma_start3A_198 : memref<100xi32, #tpu.memory_space<vmem>>) semaphore(%arg17 : memref<!tpu.dma_semaphore, #tpu.memory_space<semaphore_mem>>)
      } else {
      }
      %add3A_169 = arith.constant 4 : i32
      %add3A_170 = arith.addi %add3A_85, %add3A_169 : i32
      %dma_wait3A_171 = arith.constant 0 : i32
      %dma_wait3A_172 = tpu.memref_slice %arg6[%add3A_170, %dma_wait3A_171] : memref<100x100xi32, #tpu.memory_space<vmem>> -> memref<1x100xi32, #tpu.memory_space<vmem>>
      %dma_wait3A_173 = tpu.memref_squeeze %dma_wait3A_172 : memref<1x100xi32, #tpu.memory_space<vmem>> -> memref<100xi32, #tpu.memory_space<vmem>>
      %dma_wait3A_174 = arith.constant 0 : i32
      %dma_wait3A_175 = arith.constant 0 : i32
      %dma_wait3A_176 = tpu.memref_slice %arg2[%dma_wait3A_174, %dma_wait3A_175] : memref<10000x48xf32, #tpu.memory_space<hbm>> -> memref<10000x48xf32, #tpu.memory_space<hbm>>
      tpu.wait_indirect_dma semaphore(%arg18 : memref<!tpu.dma_semaphore, #tpu.memory_space<semaphore_mem>>) src(%dma_wait3A_176 : memref<10000x48xf32, #tpu.memory_space<hbm>>) dst(%arg12 : memref<100x48xf32, #tpu.memory_space<vmem>>)
      %dma_start3A_177 = arith.constant 0 : i32
      %dma_start3A_178 = tpu.memref_slice %arg7[%add3A_170, %dma_start3A_177] : memref<100x100xi32, #tpu.memory_space<vmem>> -> memref<1x100xi32, #tpu.memory_space<vmem>>
      %dma_start3A_179 = tpu.memref_squeeze %dma_start3A_178 : memref<1x100xi32, #tpu.memory_space<vmem>> -> memref<100xi32, #tpu.memory_space<vmem>>
      %dma_start3A_180 = arith.constant 0 : i32
      %dma_start3A_181 = arith.constant 0 : i32
      %dma_start3A_182 = tpu.memref_slice %arg13[%dma_start3A_180, %dma_start3A_181] : memref<10000x48xf32, #tpu.memory_space<vmem_shared>> -> memref<10000x48xf32, #tpu.memory_space<vmem_shared>>
      tpu.enqueue_indirect_dma source(%arg12 : memref<100x48xf32, #tpu.memory_space<vmem>>) target(%dma_start3A_182 : memref<10000x48xf32, #tpu.memory_space<vmem_shared>>) offsets(%dma_start3A_179 : memref<100xi32, #tpu.memory_space<vmem>>) semaphore(%arg23 : memref<!tpu.dma_semaphore, #tpu.memory_space<semaphore_mem>>) {add = true}
      %add3A_183 = arith.constant 5 : i32
      %add3A_184 = arith.addi %add3A_170, %add3A_183 : i32
      %lt3A_185 = arith.constant 100 : i32
      %lt3A_186 = arith.cmpi slt, %add3A_184, %lt3A_185 : i32
      %convert_element_type3A_187 = arith.extui %lt3A_186 : i1 to i32
      %cond3A_188 = arith.constant 0 : i32
      %cond3A_189 = arith.cmpi ne, %convert_element_type3A_187, %cond3A_188 : i32
      scf.if %cond3A_189 {
        %dma_wait3A_190 = arith.constant 0 : i32
        %dma_wait3A_191 = tpu.memref_slice %arg7[%add3A_170, %dma_wait3A_190] : memref<100x100xi32, #tpu.memory_space<vmem>> -> memref<1x100xi32, #tpu.memory_space<vmem>>
        %dma_wait3A_192 = tpu.memref_squeeze %dma_wait3A_191 : memref<1x100xi32, #tpu.memory_space<vmem>> -> memref<100xi32, #tpu.memory_space<vmem>>
        %dma_wait3A_193 = arith.constant 0 : i32
        %dma_wait3A_194 = arith.constant 0 : i32
        %dma_wait3A_195 = tpu.memref_slice %arg13[%dma_wait3A_193, %dma_wait3A_194] : memref<10000x48xf32, #tpu.memory_space<vmem_shared>> -> memref<10000x48xf32, #tpu.memory_space<vmem_shared>>
        tpu.wait_indirect_dma semaphore(%arg23 : memref<!tpu.dma_semaphore, #tpu.memory_space<semaphore_mem>>) src(%arg12 : memref<100x48xf32, #tpu.memory_space<vmem>>) dst(%dma_wait3A_195 : memref<10000x48xf32, #tpu.memory_space<vmem_shared>>)
        %dma_start3A_196 = arith.constant 0 : i32
        %dma_start3A_197 = tpu.memref_slice %arg6[%add3A_184, %dma_start3A_196] : memref<100x100xi32, #tpu.memory_space<vmem>> -> memref<1x100xi32, #tpu.memory_space<vmem>>
        %dma_start3A_198 = tpu.memref_squeeze %dma_start3A_197 : memref<1x100xi32, #tpu.memory_space<vmem>> -> memref<100xi32, #tpu.memory_space<vmem>>
        %dma_start3A_199 = arith.constant 0 : i32
        %dma_start3A_200 = arith.constant 0 : i32
        %dma_start3A_201 = tpu.memref_slice %arg2[%dma_start3A_199, %dma_start3A_200] : memref<10000x48xf32, #tpu.memory_space<hbm>> -> memref<10000x48xf32, #tpu.memory_space<hbm>>
        tpu.enqueue_indirect_dma source(%dma_start3A_201 : memref<10000x48xf32, #tpu.memory_space<hbm>>) target(%arg12 : memref<100x48xf32, #tpu.memory_space<vmem>>) offsets(%dma_start3A_198 : memref<100xi32, #tpu.memory_space<vmem>>) semaphore(%arg18 : memref<!tpu.dma_semaphore, #tpu.memory_space<semaphore_mem>>)
      } else {
      }
    }
    %scan3A_41 = arith.constant 20 : i32
    %dma_wait3A = arith.constant 0 : i32
    %dma_wait3A_42 = arith.constant 0 : i32
    %dma_wait3A_43 = tpu.memref_slice %arg7[%dma_wait3A, %dma_wait3A_42] : memref<100x100xi32, #tpu.memory_space<vmem>> -> memref<1x100xi32, #tpu.memory_space<vmem>>
    %dma_wait3A_44 = tpu.memref_squeeze %dma_wait3A_43 : memref<1x100xi32, #tpu.memory_space<vmem>> -> memref<100xi32, #tpu.memory_space<vmem>>
    %dma_wait3A_45 = arith.constant 0 : i32
    %dma_wait3A_46 = arith.constant 0 : i32
    %dma_wait3A_47 = tpu.memref_slice %arg13[%dma_wait3A_45, %dma_wait3A_46] : memref<10000x48xf32, #tpu.memory_space<vmem_shared>> -> memref<10000x48xf32, #tpu.memory_space<vmem_shared>>
    tpu.wait_indirect_dma semaphore(%arg19 : memref<!tpu.dma_semaphore, #tpu.memory_space<semaphore_mem>>) src(%arg8 : memref<100x48xf32, #tpu.memory_space<vmem>>) dst(%dma_wait3A_47 : memref<10000x48xf32, #tpu.memory_space<vmem_shared>>)
    %dma_wait3A_48 = arith.constant 1 : i32
    %dma_wait3A_49 = arith.constant 0 : i32
    %dma_wait3A_50 = tpu.memref_slice %arg7[%dma_wait3A_48, %dma_wait3A_49] : memref<100x100xi32, #tpu.memory_space<vmem>> -> memref<1x100xi32, #tpu.memory_space<vmem>>
    %dma_wait3A_51 = tpu.memref_squeeze %dma_wait3A_50 : memref<1x100xi32, #tpu.memory_space<vmem>> -> memref<100xi32, #tpu.memory_space<vmem>>
    %dma_wait3A_52 = arith.constant 0 : i32
    %dma_wait3A_53 = arith.constant 0 : i32
    %dma_wait3A_54 = tpu.memref_slice %arg13[%dma_wait3A_52, %dma_wait3A_53] : memref<10000x48xf32, #tpu.memory_space<vmem_shared>> -> memref<10000x48xf32, #tpu.memory_space<vmem_shared>>
    tpu.wait_indirect_dma semaphore(%arg20 : memref<!tpu.dma_semaphore, #tpu.memory_space<semaphore_mem>>) src(%arg9 : memref<100x48xf32, #tpu.memory_space<vmem>>) dst(%dma_wait3A_54 : memref<10000x48xf32, #tpu.memory_space<vmem_shared>>)
    %dma_wait3A_55 = arith.constant 2 : i32
    %dma_wait3A_56 = arith.constant 0 : i32
    %dma_wait3A_57 = tpu.memref_slice %arg7[%dma_wait3A_55, %dma_wait3A_56] : memref<100x100xi32, #tpu.memory_space<vmem>> -> memref<1x100xi32, #tpu.memory_space<vmem>>
    %dma_wait3A_58 = tpu.memref_squeeze %dma_wait3A_57 : memref<1x100xi32, #tpu.memory_space<vmem>> -> memref<100xi32, #tpu.memory_space<vmem>>
    %dma_wait3A_59 = arith.constant 0 : i32
    %dma_wait3A_60 = arith.constant 0 : i32
    %dma_wait3A_61 = tpu.memref_slice %arg13[%dma_wait3A_59, %dma_wait3A_60] : memref<10000x48xf32, #tpu.memory_space<vmem_shared>> -> memref<10000x48xf32, #tpu.memory_space<vmem_shared>>
    tpu.wait_indirect_dma semaphore(%arg21 : memref<!tpu.dma_semaphore, #tpu.memory_space<semaphore_mem>>) src(%arg10 : memref<100x48xf32, #tpu.memory_space<vmem>>) dst(%dma_wait3A_61 : memref<10000x48xf32, #tpu.memory_space<vmem_shared>>)
    %dma_wait3A_62 = arith.constant 3 : i32
    %dma_wait3A_63 = arith.constant 0 : i32
    %dma_wait3A_64 = tpu.memref_slice %arg7[%dma_wait3A_62, %dma_wait3A_63] : memref<100x100xi32, #tpu.memory_space<vmem>> -> memref<1x100xi32, #tpu.memory_space<vmem>>
    %dma_wait3A_65 = tpu.memref_squeeze %dma_wait3A_64 : memref<1x100xi32, #tpu.memory_space<vmem>> -> memref<100xi32, #tpu.memory_space<vmem>>
    %dma_wait3A_66 = arith.constant 0 : i32
    %dma_wait3A_67 = arith.constant 0 : i32
    %dma_wait3A_68 = tpu.memref_slice %arg13[%dma_wait3A_66, %dma_wait3A_67] : memref<10000x48xf32, #tpu.memory_space<vmem_shared>> -> memref<10000x48xf32, #tpu.memory_space<vmem_shared>>
    tpu.wait_indirect_dma semaphore(%arg22 : memref<!tpu.dma_semaphore, #tpu.memory_space<semaphore_mem>>) src(%arg11 : memref<100x48xf32, #tpu.memory_space<vmem>>) dst(%dma_wait3A_68 : memref<10000x48xf32, #tpu.memory_space<vmem_shared>>)
    %dma_wait3A_69 = arith.constant 4 : i32
    %dma_wait3A_70 = arith.constant 0 : i32
    %dma_wait3A_71 = tpu.memref_slice %arg7[%dma_wait3A_69, %dma_wait3A_70] : memref<100x100xi32, #tpu.memory_space<vmem>> -> memref<1x100xi32, #tpu.memory_space<vmem>>
    %dma_wait3A_72 = tpu.memref_squeeze %dma_wait3A_71 : memref<1x100xi32, #tpu.memory_space<vmem>> -> memref<100xi32, #tpu.memory_space<vmem>>
    %dma_wait3A_73 = arith.constant 0 : i32
    %dma_wait3A_74 = arith.constant 0 : i32
    %dma_wait3A_75 = tpu.memref_slice %arg13[%dma_wait3A_73, %dma_wait3A_74] : memref<10000x48xf32, #tpu.memory_space<vmem_shared>> -> memref<10000x48xf32, #tpu.memory_space<vmem_shared>>
    tpu.wait_indirect_dma semaphore(%arg23 : memref<!tpu.dma_semaphore, #tpu.memory_space<semaphore_mem>>) src(%arg12 : memref<100x48xf32, #tpu.memory_space<vmem>>) dst(%dma_wait3A_75 : memref<10000x48xf32, #tpu.memory_space<vmem_shared>>)
    %barrier3A_76 = arith.constant 0 : index
    tpu.barrier barrier_id(%barrier3A_76)
    "tpu.region"() ({
      %run_scoped3A_82 = tpu.sem_alloc : memref<!tpu.dma_semaphore, #tpu.memory_space<semaphore_mem>>
      %dma_start3A_83 = arith.constant 0 : i32
      %dma_start3A_84 = tpu.memref_slice %arg5[%arg0, %multiple_of3A, %dma_start3A_83] : memref<2x10000x48xf32, #tpu.memory_space<hbm>> -> memref<1x624x48xf32, #tpu.memory_space<hbm>>
      %dma_start3A_85 = tpu.memref_squeeze %dma_start3A_84 : memref<1x624x48xf32, #tpu.memory_space<hbm>> -> memref<624x48xf32, #tpu.memory_space<hbm>>
      %dma_start3A_86 = arith.constant 0 : i32
      %dma_start3A_87 = tpu.memref_slice %arg13[%multiple_of3A, %dma_start3A_86] : memref<10000x48xf32, #tpu.memory_space<vmem_shared>> -> memref<624x48xf32, #tpu.memory_space<vmem_shared>>
      tpu.enqueue_dma source(%dma_start3A_87 : memref<624x48xf32, #tpu.memory_space<vmem_shared>>) target(%dma_start3A_85 : memref<624x48xf32, #tpu.memory_space<hbm>>) target_semaphore(%run_scoped3A_82 : memref<!tpu.dma_semaphore, #tpu.memory_space<semaphore_mem>>)
      %dma_wait3A_88 = arith.constant 0 : i32
      %dma_wait3A_89 = tpu.memref_slice %arg5[%arg0, %multiple_of3A, %dma_wait3A_88] : memref<2x10000x48xf32, #tpu.memory_space<hbm>> -> memref<1x624x48xf32, #tpu.memory_space<hbm>>
      %dma_wait3A_90 = tpu.memref_squeeze %dma_wait3A_89 : memref<1x624x48xf32, #tpu.memory_space<hbm>> -> memref<624x48xf32, #tpu.memory_space<hbm>>
      %dma_wait3A_91 = arith.constant 0 : i32
      %dma_wait3A_92 = tpu.memref_slice %arg13[%multiple_of3A, %dma_wait3A_91] : memref<10000x48xf32, #tpu.memory_space<vmem_shared>> -> memref<624x48xf32, #tpu.memory_space<vmem_shared>>
      tpu.wait_dma2 semaphore(%run_scoped3A_82 : memref<!tpu.dma_semaphore, #tpu.memory_space<semaphore_mem>>) src(%dma_wait3A_92 : memref<624x48xf32, #tpu.memory_space<vmem_shared>>) dst(%dma_wait3A_90 : memref<624x48xf32, #tpu.memory_space<hbm>>)
      tpu.yield
    }) : () -> ()
    %eq3A_77 = arith.constant 0 : i32
    %eq3A_78 = arith.cmpi eq, %arg1, %eq3A_77 : i32
    %convert_element_type3A_79 = arith.extui %eq3A_78 : i1 to i32
    %cond3A_80 = arith.constant 0 : i32
    %cond3A_81 = arith.cmpi ne, %convert_element_type3A_79, %cond3A_80 : i32
    scf.if %cond3A_81 {
      "tpu.region"() ({
        %run_scoped3A_82 = tpu.sem_alloc : memref<!tpu.dma_semaphore, #tpu.memory_space<semaphore_mem>>
        %dma_start3A_83 = arith.constant 9984 : i32
        %dma_start3A_84 = arith.constant 0 : i32
        %dma_start3A_85 = tpu.memref_slice %arg5[%arg0, %dma_start3A_83, %dma_start3A_84] : memref<2x10000x48xf32, #tpu.memory_space<hbm>> -> memref<1x16x48xf32, #tpu.memory_space<hbm>>
        %dma_start3A_86 = tpu.memref_squeeze %dma_start3A_85 : memref<1x16x48xf32, #tpu.memory_space<hbm>> -> memref<16x48xf32, #tpu.memory_space<hbm>>
        %dma_start3A_87 = arith.constant 9984 : i32
        %dma_start3A_88 = arith.constant 0 : i32
        %dma_start3A_89 = tpu.memref_slice %arg13[%dma_start3A_87, %dma_start3A_88] : memref<10000x48xf32, #tpu.memory_space<vmem_shared>> -> memref<16x48xf32, #tpu.memory_space<vmem_shared>>
        tpu.enqueue_dma source(%dma_start3A_89 : memref<16x48xf32, #tpu.memory_space<vmem_shared>>) target(%dma_start3A_86 : memref<16x48xf32, #tpu.memory_space<hbm>>) target_semaphore(%run_scoped3A_82 : memref<!tpu.dma_semaphore, #tpu.memory_space<semaphore_mem>>)
        %dma_wait3A_90 = arith.constant 9984 : i32
        %dma_wait3A_91 = arith.constant 0 : i32
        %dma_wait3A_92 = tpu.memref_slice %arg5[%arg0, %dma_wait3A_90, %dma_wait3A_91] : memref<2x10000x48xf32, #tpu.memory_space<hbm>> -> memref<1x16x48xf32, #tpu.memory_space<hbm>>
        %dma_wait3A_93 = tpu.memref_squeeze %dma_wait3A_92 : memref<1x16x48xf32, #tpu.memory_space<hbm>> -> memref<16x48xf32, #tpu.memory_space<hbm>>
        %dma_wait3A_94 = arith.constant 9984 : i32
        %dma_wait3A_95 = arith.constant 0 : i32
        %dma_wait3A_96 = tpu.memref_slice %arg13[%dma_wait3A_94, %dma_wait3A_95] : memref<10000x48xf32, #tpu.memory_space<vmem_shared>> -> memref<16x48xf32, #tpu.memory_space<vmem_shared>>
        tpu.wait_dma2 semaphore(%run_scoped3A_82 : memref<!tpu.dma_semaphore, #tpu.memory_space<semaphore_mem>>) src(%dma_wait3A_96 : memref<16x48xf32, #tpu.memory_space<vmem_shared>>) dst(%dma_wait3A_93 : memref<16x48xf32, #tpu.memory_space<hbm>>)
        tpu.yield
      }) : () -> ()
    } else {
    }
    return
  }
}

module attributes {stable_mosaic.version = 14 : i64} {
  func.func @_tc2_body(%arg0: i32, %arg1: memref<2x1000x128xf32, #tpu.memory_space<vmem>>, %arg2: memref<2x1000x16xf32, #tpu.memory_space<vmem>>, %arg3: memref<1000x128xf32, #tpu.memory_space<vmem>>, %arg4: memref<1x128xf32, #tpu.memory_space<vmem>>, %arg5: memref<1x128xf32, #tpu.memory_space<vmem>>, %arg6: memref<1x128xf32, #tpu.memory_space<vmem>>, %arg7: memref<1x128xf32, #tpu.memory_space<vmem>>, %arg8: memref<1x128xf32, #tpu.memory_space<vmem>>, %arg9: memref<128x128xf32, #tpu.memory_space<vmem>>, %arg10: memref<128x128xf32, #tpu.memory_space<vmem>>, %arg11: memref<128x48xf32, #tpu.memory_space<vmem>>, %arg12: memref<128x48xf32, #tpu.memory_space<vmem>>, %arg13: memref<1000x48xf32, #tpu.memory_space<vmem>>, %arg14: memref<1000x48xf32, #tpu.memory_space<vmem>>) attributes {dimension_semantics = [#tpu.dimension_semantics<arbitrary>], iteration_bounds = array<i64: 10>, scalar_prefetch = 0 : i64, scratch_operands = 0 : i64, tpu.core_type = #tpu.core_type<tc>, window_params = [{transform_indices = @transform_0, window_bounds = array<i64: 2, 1000, 128>}, {transform_indices = @transform_1, window_bounds = array<i64: 2, 1000, 16>}, {transform_indices = @transform_2, window_bounds = array<i64: 1000, 128>}, {pipeline_mode = #tpu.pipeline_mode<synchronous>, transform_indices = @transform_3, window_bounds = array<i64: 1, 128>}, {pipeline_mode = #tpu.pipeline_mode<synchronous>, transform_indices = @transform_4, window_bounds = array<i64: 1, 128>}, {pipeline_mode = #tpu.pipeline_mode<synchronous>, transform_indices = @transform_5, window_bounds = array<i64: 1, 128>}, {pipeline_mode = #tpu.pipeline_mode<synchronous>, transform_indices = @transform_6, window_bounds = array<i64: 1, 128>}, {pipeline_mode = #tpu.pipeline_mode<synchronous>, transform_indices = @transform_7, window_bounds = array<i64: 1, 128>}, {pipeline_mode = #tpu.pipeline_mode<synchronous>, transform_indices = @transform_8, window_bounds = array<i64: 128, 128>}, {pipeline_mode = #tpu.pipeline_mode<synchronous>, transform_indices = @transform_9, window_bounds = array<i64: 128, 128>}, {pipeline_mode = #tpu.pipeline_mode<synchronous>, transform_indices = @transform_10, window_bounds = array<i64: 128, 48>}, {pipeline_mode = #tpu.pipeline_mode<synchronous>, transform_indices = @transform_11, window_bounds = array<i64: 128, 48>}, {transform_indices = @transform_12, window_bounds = array<i64: 1000, 48>}, {transform_indices = @transform_13, window_bounds = array<i64: 1000, 48>}]} {
    %get3A = arith.constant 0 : index
    %get3A_0 = arith.constant 0 : index
    %get3A_1 = arith.constant 0 : index
    %get3A_2 = vector.load %arg1[%get3A, %get3A_0, %get3A_1] : memref<2x1000x128xf32, #tpu.memory_space<vmem>>, vector<1x1000x128xf32>
    %get3A_3 = vector.shape_cast %get3A_2 : vector<1x1000x128xf32> to vector<1000x128xf32>
    %get3A_4 = arith.constant 1 : index
    %get3A_5 = arith.constant 0 : index
    %get3A_6 = arith.constant 0 : index
    %get3A_7 = vector.load %arg1[%get3A_4, %get3A_5, %get3A_6] : memref<2x1000x128xf32, #tpu.memory_space<vmem>>, vector<1x1000x128xf32>
    %get3A_8 = vector.shape_cast %get3A_7 : vector<1x1000x128xf32> to vector<1000x128xf32>
    %add3A = arith.addf %get3A_3, %get3A_8 : vector<1000x128xf32>
    %get3A_9 = arith.constant 0 : index
    %get3A_10 = arith.constant 0 : index
    %get3A_11 = arith.constant 0 : index
    %get3A_12 = vector.load %arg2[%get3A_9, %get3A_10, %get3A_11] : memref<2x1000x16xf32, #tpu.memory_space<vmem>>, vector<1x1000x1xf32>
    %get3A_13 = vector.shape_cast %get3A_12 : vector<1x1000x1xf32> to vector<1000xf32>
    %get3A_14 = arith.constant 1 : index
    %get3A_15 = arith.constant 0 : index
    %get3A_16 = arith.constant 0 : index
    %get3A_17 = vector.load %arg2[%get3A_14, %get3A_15, %get3A_16] : memref<2x1000x16xf32, #tpu.memory_space<vmem>>, vector<1x1000x1xf32>
    %get3A_18 = vector.shape_cast %get3A_17 : vector<1x1000x1xf32> to vector<1000xf32>
    %add3A_19 = arith.addf %get3A_13, %get3A_18 : vector<1000xf32>
    %max3A = arith.constant 1.000000e+00 : f32
    %max3A_20 = vector.broadcast %max3A : f32 to vector<1000xf32>
    %max3A_21 = arith.maximumf %add3A_19, %max3A_20 : vector<1000xf32>
    %div3A = arith.constant 1.000000e+00 : f32
    %div3A_22 = vector.broadcast %div3A : f32 to vector<1000xf32>
    %div3A_23 = arith.divf %div3A_22, %max3A_21 : vector<1000xf32>
    %get3A_24 = arith.constant 0 : index
    %get3A_25 = arith.constant 0 : index
    %get3A_26 = vector.load %arg3[%get3A_24, %get3A_25] : memref<1000x128xf32, #tpu.memory_space<vmem>>, vector<1000x128xf32>
    %broadcast_in_dim3A = vector.shape_cast %div3A_23 : vector<1000xf32> to vector<1000x1xf32>
    %mul3A = vector.broadcast %broadcast_in_dim3A : vector<1000x1xf32> to vector<1000x128xf32>
    %mul3A_27 = arith.mulf %add3A, %mul3A : vector<1000x128xf32>
    %get3A_28 = arith.constant 0 : index
    %get3A_29 = arith.constant 0 : index
    %get3A_30 = vector.load %arg9[%get3A_28, %get3A_29] : memref<128x128xf32, #tpu.memory_space<vmem>>, vector<128x128xf32>
    %dot_general3A = arith.constant dense<0.000000e+00> : vector<1000x128xf32>
    %dot_general3A_31 = tpu.matmul %mul3A_27, %get3A_30, %dot_general3A {dimension_numbers = #tpu.dot_dimension_numbers<[1], [0], [0], [1], [0, 0, 1, 1], [], []>, transpose_lhs_hint = false} : vector<1000x128xf32>, vector<128x128xf32>, vector<1000x128xf32> -> vector<1000x128xf32>
    %get3A_32 = arith.constant 0 : index
    %get3A_33 = arith.constant 0 : index
    %get3A_34 = vector.load %arg10[%get3A_32, %get3A_33] : memref<128x128xf32, #tpu.memory_space<vmem>>, vector<128x128xf32>
    %dot_general3A_35 = arith.constant dense<0.000000e+00> : vector<1000x128xf32>
    %dot_general3A_36 = tpu.matmul %get3A_26, %get3A_34, %dot_general3A_35 {dimension_numbers = #tpu.dot_dimension_numbers<[1], [0], [0], [1], [0, 0, 1, 1], [], []>, transpose_lhs_hint = false} : vector<1000x128xf32>, vector<128x128xf32>, vector<1000x128xf32> -> vector<1000x128xf32>
    %add3A_37 = arith.addf %dot_general3A_31, %dot_general3A_36 : vector<1000x128xf32>
    %get3A_38 = arith.constant 0 : index
    %get3A_39 = arith.constant 0 : index
    %get3A_40 = vector.load %arg4[%get3A_38, %get3A_39] : memref<1x128xf32, #tpu.memory_space<vmem>>, vector<1x128xf32>
    %add3A_41 = vector.broadcast %get3A_40 : vector<1x128xf32> to vector<1000x128xf32>
    %add3A_42 = arith.addf %add3A_37, %add3A_41 : vector<1000x128xf32>
    %get3A_43 = arith.constant 0 : index
    %get3A_44 = arith.constant 0 : index
    %get3A_45 = vector.load %arg7[%get3A_43, %get3A_44] : memref<1x128xf32, #tpu.memory_space<vmem>>, vector<1x128xf32>
    %sub3A = vector.broadcast %get3A_45 : vector<1x128xf32> to vector<1000x128xf32>
    %sub3A_46 = arith.subf %add3A_42, %sub3A : vector<1000x128xf32>
    %get3A_47 = arith.constant 0 : index
    %get3A_48 = arith.constant 0 : index
    %get3A_49 = vector.load %arg8[%get3A_47, %get3A_48] : memref<1x128xf32, #tpu.memory_space<vmem>>, vector<1x128xf32>
    %add3A_50 = arith.constant 9.99999974E-6 : f32
    %add3A_51 = vector.broadcast %add3A_50 : f32 to vector<1x128xf32>
    %add3A_52 = arith.addf %get3A_49, %add3A_51 : vector<1x128xf32>
    %rsqrt3A = math.rsqrt %add3A_52 : vector<1x128xf32>
    %mul3A_53 = vector.broadcast %rsqrt3A : vector<1x128xf32> to vector<1000x128xf32>
    %mul3A_54 = arith.mulf %sub3A_46, %mul3A_53 : vector<1000x128xf32>
    %get3A_55 = arith.constant 0 : index
    %get3A_56 = arith.constant 0 : index
    %get3A_57 = vector.load %arg5[%get3A_55, %get3A_56] : memref<1x128xf32, #tpu.memory_space<vmem>>, vector<1x128xf32>
    %mul3A_58 = vector.broadcast %get3A_57 : vector<1x128xf32> to vector<1000x128xf32>
    %mul3A_59 = arith.mulf %mul3A_54, %mul3A_58 : vector<1000x128xf32>
    %get3A_60 = arith.constant 0 : index
    %get3A_61 = arith.constant 0 : index
    %get3A_62 = vector.load %arg6[%get3A_60, %get3A_61] : memref<1x128xf32, #tpu.memory_space<vmem>>, vector<1x128xf32>
    %add3A_63 = vector.broadcast %get3A_62 : vector<1x128xf32> to vector<1000x128xf32>
    %add3A_64 = arith.addf %mul3A_59, %add3A_63 : vector<1000x128xf32>
    %max3A_65 = arith.constant 0.000000e+00 : f32
    %max3A_66 = vector.broadcast %max3A_65 : f32 to vector<1000x128xf32>
    %max3A_67 = arith.maximumf %add3A_64, %max3A_66 : vector<1000x128xf32>
    %get3A_68 = arith.constant 0 : index
    %get3A_69 = arith.constant 0 : index
    %get3A_70 = vector.load %arg11[%get3A_68, %get3A_69] : memref<128x48xf32, #tpu.memory_space<vmem>>, vector<128x48xf32>
    %dot_general3A_71 = arith.constant dense<0.000000e+00> : vector<1000x48xf32>
    %dot_general3A_72 = tpu.matmul %max3A_67, %get3A_70, %dot_general3A_71 {dimension_numbers = #tpu.dot_dimension_numbers<[1], [0], [0], [1], [0, 0, 1, 1], [], []>, transpose_lhs_hint = false} : vector<1000x128xf32>, vector<128x48xf32>, vector<1000x48xf32> -> vector<1000x48xf32>
    %swap3A = arith.constant 0 : index
    %swap3A_73 = arith.constant 0 : index
    %swap3A_74 = vector.load %arg13[%swap3A, %swap3A_73] : memref<1000x48xf32, #tpu.memory_space<vmem>>, vector<1000x48xf32>
    tpu.vector_store %arg13[%swap3A, %swap3A_73], %dot_general3A_72 {strides = array<i32>} : memref<1000x48xf32, #tpu.memory_space<vmem>>, vector<1000x48xf32>,
    %get3A_75 = arith.constant 0 : index
    %get3A_76 = arith.constant 0 : index
    %get3A_77 = vector.load %arg12[%get3A_75, %get3A_76] : memref<128x48xf32, #tpu.memory_space<vmem>>, vector<128x48xf32>
    %dot_general3A_78 = arith.constant dense<0.000000e+00> : vector<1000x48xf32>
    %dot_general3A_79 = tpu.matmul %max3A_67, %get3A_77, %dot_general3A_78 {dimension_numbers = #tpu.dot_dimension_numbers<[1], [0], [0], [1], [0, 0, 1, 1], [], []>, transpose_lhs_hint = false} : vector<1000x128xf32>, vector<128x48xf32>, vector<1000x48xf32> -> vector<1000x48xf32>
    %iota3A = tpu.iota {dimensions = array<i32: 1>} : vector<1000x48xi32>
    %eq3A = arith.constant 40 : i32
    %eq3A_80 = vector.broadcast %eq3A : i32 to vector<1000x48xi32>
    %eq3A_81 = arith.cmpi eq, %iota3A, %eq3A_80 : vector<1000x48xi32>
    %broadcast_in_dim3A_82 = vector.shape_cast %add3A_19 : vector<1000xf32> to vector<1000x1xf32>
    %broadcast_in_dim3A_83 = vector.shape_cast %broadcast_in_dim3A_82 : vector<1000x1xf32> to vector<1000x1xf32>
    %broadcast_in_dim3A_84 = vector.broadcast %broadcast_in_dim3A_83 : vector<1000x1xf32> to vector<1000x48xf32>
    %select_n3A = arith.select %eq3A_81, %broadcast_in_dim3A_84, %dot_general3A_79 : vector<1000x48xi1>, vector<1000x48xf32>
    %swap3A_85 = arith.constant 0 : index
    %swap3A_86 = arith.constant 0 : index
    %swap3A_87 = vector.load %arg14[%swap3A_85, %swap3A_86] : memref<1000x48xf32, #tpu.memory_space<vmem>>, vector<1000x48xf32>
    tpu.vector_store %arg14[%swap3A_85, %swap3A_86], %select_n3A {strides = array<i32>} : memref<1000x48xf32, #tpu.memory_space<vmem>>, vector<1000x48xf32>,
    return
  }
  func.func @transform_0(%arg0: i32) -> (i32, i32, i32) {
    %c0_i32 = arith.constant 0 : i32
    %c0_i32_0 = arith.constant 0 : i32
    %c0_i32_1 = arith.constant 0 : i32
    return %c0_i32, %arg0, %c0_i32_0 : i32, i32, i32
  }
  func.func @transform_1(%arg0: i32) -> (i32, i32, i32) {
    %c0_i32 = arith.constant 0 : i32
    %c0_i32_0 = arith.constant 0 : i32
    %c0_i32_1 = arith.constant 0 : i32
    return %c0_i32, %arg0, %c0_i32_0 : i32, i32, i32
  }
  func.func @transform_2(%arg0: i32) -> (i32, i32) {
    %c0_i32 = arith.constant 0 : i32
    %c0_i32_0 = arith.constant 0 : i32
    return %arg0, %c0_i32 : i32, i32
  }
  func.func @transform_3(%arg0: i32) -> (i32, i32) {
    %c0_i32 = arith.constant 0 : i32
    %c0_i32_0 = arith.constant 0 : i32
    %c0_i32_1 = arith.constant 0 : i32
    return %c0_i32, %c0_i32_0 : i32, i32
  }
  func.func @transform_4(%arg0: i32) -> (i32, i32) {
    %c0_i32 = arith.constant 0 : i32
    %c0_i32_0 = arith.constant 0 : i32
    %c0_i32_1 = arith.constant 0 : i32
    return %c0_i32, %c0_i32_0 : i32, i32
  }
  func.func @transform_5(%arg0: i32) -> (i32, i32) {
    %c0_i32 = arith.constant 0 : i32
    %c0_i32_0 = arith.constant 0 : i32
    %c0_i32_1 = arith.constant 0 : i32
    return %c0_i32, %c0_i32_0 : i32, i32
  }
  func.func @transform_6(%arg0: i32) -> (i32, i32) {
    %c0_i32 = arith.constant 0 : i32
    %c0_i32_0 = arith.constant 0 : i32
    %c0_i32_1 = arith.constant 0 : i32
    return %c0_i32, %c0_i32_0 : i32, i32
  }
  func.func @transform_7(%arg0: i32) -> (i32, i32) {
    %c0_i32 = arith.constant 0 : i32
    %c0_i32_0 = arith.constant 0 : i32
    %c0_i32_1 = arith.constant 0 : i32
    return %c0_i32, %c0_i32_0 : i32, i32
  }
  func.func @transform_8(%arg0: i32) -> (i32, i32) {
    %c0_i32 = arith.constant 0 : i32
    %c0_i32_0 = arith.constant 0 : i32
    %c0_i32_1 = arith.constant 0 : i32
    return %c0_i32, %c0_i32_0 : i32, i32
  }
  func.func @transform_9(%arg0: i32) -> (i32, i32) {
    %c0_i32 = arith.constant 0 : i32
    %c0_i32_0 = arith.constant 0 : i32
    %c0_i32_1 = arith.constant 0 : i32
    return %c0_i32, %c0_i32_0 : i32, i32
  }
  func.func @transform_10(%arg0: i32) -> (i32, i32) {
    %c0_i32 = arith.constant 0 : i32
    %c0_i32_0 = arith.constant 0 : i32
    %c0_i32_1 = arith.constant 0 : i32
    return %c0_i32, %c0_i32_0 : i32, i32
  }
  func.func @transform_11(%arg0: i32) -> (i32, i32) {
    %c0_i32 = arith.constant 0 : i32
    %c0_i32_0 = arith.constant 0 : i32
    %c0_i32_1 = arith.constant 0 : i32
    return %c0_i32, %c0_i32_0 : i32, i32
  }
  func.func @transform_12(%arg0: i32) -> (i32, i32) {
    %c0_i32 = arith.constant 0 : i32
    %c0_i32_0 = arith.constant 0 : i32
    return %arg0, %c0_i32 : i32, i32
  }
  func.func @transform_13(%arg0: i32) -> (i32, i32) {
    %c0_i32 = arith.constant 0 : i32
    %c0_i32_0 = arith.constant 0 : i32
    return %arg0, %c0_i32 : i32, i32
  }
}

module attributes {stable_mosaic.version = 14 : i64} {
  func.func @_tc3_body(%arg0: i32, %arg1: memref<2x2000x48xf32, #tpu.memory_space<vmem>>, %arg2: memref<2000x48xf32, #tpu.memory_space<vmem>>, %arg3: memref<1x40xf32, #tpu.memory_space<vmem>>, %arg4: memref<2000x40xf32, #tpu.memory_space<vmem>>) attributes {dimension_semantics = [#tpu.dimension_semantics<arbitrary>], iteration_bounds = array<i64: 5>, scalar_prefetch = 0 : i64, scratch_operands = 0 : i64, tpu.core_type = #tpu.core_type<tc>, window_params = [{transform_indices = @transform_0, window_bounds = array<i64: 2, 2000, 48>}, {transform_indices = @transform_1, window_bounds = array<i64: 2000, 48>}, {pipeline_mode = #tpu.pipeline_mode<synchronous>, transform_indices = @transform_2, window_bounds = array<i64: 1, 40>}, {transform_indices = @transform_3, window_bounds = array<i64: 2000, 40>}]} {
    %get3A = arith.constant 0 : index
    %get3A_0 = arith.constant 0 : index
    %get3A_1 = arith.constant 0 : index
    %get3A_2 = vector.load %arg1[%get3A, %get3A_0, %get3A_1] : memref<2x2000x48xf32, #tpu.memory_space<vmem>>, vector<1x2000x48xf32>
    %get3A_3 = vector.shape_cast %get3A_2 : vector<1x2000x48xf32> to vector<2000x48xf32>
    %get3A_4 = arith.constant 1 : index
    %get3A_5 = arith.constant 0 : index
    %get3A_6 = arith.constant 0 : index
    %get3A_7 = vector.load %arg1[%get3A_4, %get3A_5, %get3A_6] : memref<2x2000x48xf32, #tpu.memory_space<vmem>>, vector<1x2000x48xf32>
    %get3A_8 = vector.shape_cast %get3A_7 : vector<1x2000x48xf32> to vector<2000x48xf32>
    %add3A = arith.addf %get3A_3, %get3A_8 : vector<2000x48xf32>
    %get3A_9 = arith.constant 0 : index
    %get3A_10 = arith.constant 0 : index
    %get3A_11 = vector.load %arg2[%get3A_9, %get3A_10] : memref<2000x48xf32, #tpu.memory_space<vmem>>, vector<2000x48xf32>
    %slice3A = vector.extract_strided_slice %get3A_11 {offsets = [0, 40], sizes = [2000, 1], strides = [1, 1]} : vector<2000x48xf32> to vector<2000x1xf32>
    %squeeze3A = vector.shape_cast %slice3A : vector<2000x1xf32> to vector<2000xf32>
    %max3A = arith.constant 1.000000e+00 : f32
    %max3A_12 = vector.broadcast %max3A : f32 to vector<2000xf32>
    %max3A_13 = arith.maximumf %squeeze3A, %max3A_12 : vector<2000xf32>
    %div3A = arith.constant 1.000000e+00 : f32
    %div3A_14 = vector.broadcast %div3A : f32 to vector<2000xf32>
    %div3A_15 = arith.divf %div3A_14, %max3A_13 : vector<2000xf32>
    %slice3A_16 = vector.extract_strided_slice %add3A {offsets = [0, 0], sizes = [2000, 40], strides = [1, 1]} : vector<2000x48xf32> to vector<2000x40xf32>
    %broadcast_in_dim3A = vector.shape_cast %div3A_15 : vector<2000xf32> to vector<2000x1xf32>
    %mul3A = vector.broadcast %broadcast_in_dim3A : vector<2000x1xf32> to vector<2000x40xf32>
    %mul3A_17 = arith.mulf %slice3A_16, %mul3A : vector<2000x40xf32>
    %slice3A_18 = vector.extract_strided_slice %get3A_11 {offsets = [0, 0], sizes = [2000, 40], strides = [1, 1]} : vector<2000x48xf32> to vector<2000x40xf32>
    %add3A_19 = arith.addf %mul3A_17, %slice3A_18 : vector<2000x40xf32>
    %get3A_20 = arith.constant 0 : index
    %get3A_21 = arith.constant 0 : index
    %get3A_22 = vector.load %arg3[%get3A_20, %get3A_21] : memref<1x40xf32, #tpu.memory_space<vmem>>, vector<1x40xf32>
    %add3A_23 = vector.broadcast %get3A_22 : vector<1x40xf32> to vector<2000x40xf32>
    %add3A_24 = arith.addf %add3A_19, %add3A_23 : vector<2000x40xf32>
    %reduce_max3A = arith.constant dense<0xFF800000> : vector<2000xf32>
    %reduce_max3A_25 = vector.multi_reduction <maximumf>, %add3A_24, %reduce_max3A [1] : vector<2000x40xf32> to vector<2000xf32>
    %broadcast_in_dim3A_26 = vector.shape_cast %reduce_max3A_25 : vector<2000xf32> to vector<2000x1xf32>
    %sub3A = vector.broadcast %broadcast_in_dim3A_26 : vector<2000x1xf32> to vector<2000x40xf32>
    %sub3A_27 = arith.subf %add3A_24, %sub3A : vector<2000x40xf32>
    %exp3A = math.exp %sub3A_27 : vector<2000x40xf32>
    %reduce_sum3A = arith.constant dense<0.000000e+00> : vector<2000xf32>
    %reduce_sum3A_28 = vector.multi_reduction <add>, %exp3A, %reduce_sum3A [1] : vector<2000x40xf32> to vector<2000xf32>
    %broadcast_in_dim3A_29 = vector.shape_cast %reduce_sum3A_28 : vector<2000xf32> to vector<2000x1xf32>
    %log3A = math.log %broadcast_in_dim3A_29 : vector<2000x1xf32>
    %add3A_30 = arith.addf %log3A, %broadcast_in_dim3A_26 : vector<2000x1xf32>
    %sub3A_31 = vector.broadcast %add3A_30 : vector<2000x1xf32> to vector<2000x40xf32>
    %sub3A_32 = arith.subf %add3A_24, %sub3A_31 : vector<2000x40xf32>
    %swap3A = arith.constant 0 : index
    %swap3A_33 = arith.constant 0 : index
    %swap3A_34 = vector.load %arg4[%swap3A, %swap3A_33] : memref<2000x40xf32, #tpu.memory_space<vmem>>, vector<2000x40xf32>
    tpu.vector_store %arg4[%swap3A, %swap3A_33], %sub3A_32 {strides = array<i32>} : memref<2000x40xf32, #tpu.memory_space<vmem>>, vector<2000x40xf32>,
    return
  }
  func.func @transform_0(%arg0: i32) -> (i32, i32, i32) {
    %c0_i32 = arith.constant 0 : i32
    %c0_i32_0 = arith.constant 0 : i32
    %c0_i32_1 = arith.constant 0 : i32
    return %c0_i32, %arg0, %c0_i32_0 : i32, i32, i32
  }
  func.func @transform_1(%arg0: i32) -> (i32, i32) {
    %c0_i32 = arith.constant 0 : i32
    %c0_i32_0 = arith.constant 0 : i32
    return %arg0, %c0_i32 : i32, i32
  }
  func.func @transform_2(%arg0: i32) -> (i32, i32) {
    %c0_i32 = arith.constant 0 : i32
    %c0_i32_0 = arith.constant 0 : i32
    %c0_i32_1 = arith.constant 0 : i32
    return %c0_i32, %c0_i32_0 : i32, i32
  }
  func.func @transform_3(%arg0: i32) -> (i32, i32) {
    %c0_i32 = arith.constant 0 : i32
    %c0_i32_0 = arith.constant 0 : i32
    return %arg0, %c0_i32 : i32, i32
  }
}

</mosaic_0001>

<sc_bundles>
// kernel: kernel.6.cloned.1.call-start
scs
__scs_entry_jumppad:
0x0: {  	(pc) =	sbr.rel $0x88, $3  }
0x1: {  	(tag) =	ssettag $0x0;
	lr =	simm.s32 $0x1  }
0x2: {  	[smem:$0x3F95] =	sst lr;
	_ =	strace $0xD0000000  }
0x3: {  	_ = 	snop  }
0x4: {  	_ = 	snop  }
0x5: {  	_ = 	snop  }
0x6: {  	_ = 	snop  }
0x7: {  	_ = 	snop  }
__scs_overlays_trampoline_lowered:
0x8: {  	[smem:$0x3FA4] =	sst s0  }
0x9: {  	[smem:$0x3FA5] =	sst s1  }
0xa: {  	[smem:$0x3FA6] =	sst s2  }
0xb: {  	[smem:$0x3FA7] =	sst s3  }
0xc: {  	[smem:$0x3FA8] =	sst s4  }
0xd: {  	[smem:$0x3FA9] =	sst s5  }
0xe: {  	[smem:$0x3FAA] =	sst s6  }
0xf: {  	[smem:$0x3FAB] =	sst s7  }
0x10: {  	[smem:$0x3FAC] =	sst s8  }
0x11: {  	[smem:$0x3FAD] =	sst s9;
	s0 =	simm.s32 @!p0 $0x0  }
0x12: {  	s1 =	sld [smem:$0x3F93];
	s0 =	simm.s32 @p0 $0x1  }
0x13: {  	[smem:$0x3FAE] =	sst s0;
	s0 =	simm.s32 @!p1 $0x0  }
0x14: {  	s2 =	sld [smem:$0x3F92];
	s0 =	simm.s32 @p1 $0x1  }
0x15: {  	[smem:$0x3FAF] =	sst s0;
	s0 =	simm.s32 @!p2 $0x0  }
0x16: {  	s3 =	sld [smem:$0x3FDB];
	s0 =	simm.s32 @p2 $0x1  }
0x17: {  	s4 =	simm.s32 $0x1BF5;
	[smem:$0x3FB1] =	sst s0  }
0x18: {  	s0 =	sld [smem:$0x3F94];
	_ =	swait.ge [sflag:s4], $0x0  }
0x19: {  	s7 =	sld [smem:$0x3F95]  }
0x1a: {  	s8 =	sadd.s32 $0xFFFFE003, lr  }
0x1b: {  	s9 =	sadd.s32 $0xFFFFFEF7, lr;
	s5 =	simm.s32 $0xFFFFFFFF;
	p2 =	slt.u32 s8, $0xFFFFF086  }
0x1c: {  	p1 =	slt.u32 s9, $0xF7A;
	s5 =	simm.s32 @!p2 $0x0  }
0x1d: {  	s5 =	simm.s32 @p1 $0x1;
	p0 =	seq.s32 s7, s2  }
0x1e: {  	s7 =	smul.u32 @!p0 $0xF7A, s2;
	p2 =	seq.s32 @!p0 s5, $0x0  }
0x1f: {  	s9 =	smul.u32 $0xF7A, s1;
	s8 =	simm.s32 @!p0 $0x1BF5;
	p2 =	por !p2, p0  }
0x20: {  	[sflag:s8] =	ssyncset.s32 @!p0 $0xFFFFF086;
	s6 =	sadd.s32 @!p0 s3, s7;
	s7 =	simm.s32 @!p0 $0x108  }
0x21: {  	s3 =	sadd.s32 s3, s9;
	s6 =	sadd.s32 @!p0 $0x88, s6;
	s7 =	simm.s32 @p2 $0x1082  }
0x22: {  	[simem:s7], [sflag:s8] =	dma.local @!p0 [hbm:s6], $0xF7A  }
0x23: {  	s9 =	sor.u32 $0xD0000000, s2;
	s6 =	simm.s32 $0x108;
	_ =	swait.ge @!p0 [sflag:s8], $0x0  }
0x24: {  	s3 =	sadd.s32 $0x88, s3;
	s6 =	simm.s32 @!p1 $0x1082;
	[sflag:s4] =	ssyncset.s32 $0xFFFFF086  }
0x25: {  	[simem:s6], [sflag:s4] =	dma.local [hbm:s3], $0xF7A  }
0x26: {  	[smem:$0x3F95] =	sst s1;
	(tag) =	ssettag s2;
	_ =	strace s9  }
0x27: {  	s1 =	sld [smem:$0x3FA5]  }
0x28: {  	s2 =	sld [smem:$0x3FA6]  }
0x29: {  	s4 =	sld [smem:$0x3FA8]  }
0x2a: {  	p0 =	seq.s32 s5, $0x0;
	s5 =	sld [smem:$0x3FA9]  }
0x2b: {  	s6 =	sld [smem:$0x3FAA]  }
0x2c: {  	s7 =	sld [smem:$0x3FAB]  }
0x2d: {  	s3 =	simm.s32 $0x108;
	s8 =	sld [smem:$0x3FAC]  }
0x2e: {  	s3 =	simm.s32 @!p0 $0x1082;
	s9 =	sld [smem:$0x3FAD]  }
0x2f: {  	lr =	sadd.s32 s0, s3;
	s0 =	sld [smem:$0x3FA4]  }
0x30: {  	s3 =	sld [smem:$0x3FA7]  }
0x31: {  	[smem:$0x3FB0] =	sst s10  }
0x32: {  	s10 =	sld [smem:$0x3FAE];
	_ =	sdelay $0x3  }
0x33: {  	p0 =	seq.s32 s10, $0x1;
	s10 =	sld [smem:$0x3FB0];
	_ =	sdelay $0x3  }
0x34: {  	[smem:$0x3FB0] =	sst s10  }
0x35: {  	s10 =	sld [smem:$0x3FAF];
	_ =	sdelay $0x3  }
0x36: {  	p1 =	seq.s32 s10, $0x1;
	s10 =	sld [smem:$0x3FB0];
	_ =	sdelay $0x3  }
0x37: {  	[smem:$0x3FB0] =	sst s10  }
0x38: {  	s10 =	sld [smem:$0x3FB1]  }
0x39: {  	_ = 	snop;
	(pc) =	sbr.ind lr, $3  }
0x3a: {  	_ = 	snop  }
0x3b: {  	_ = 	snop  }
0x3c: {  	p2 =	seq.s32 s10, $0x1;
	s10 =	sld [smem:$0x3FB0]  }
0x3d: {  	_ =	shalt  }
0x3e: {  	_ =	shalt  }
0x3f: {  	_ =	shalt  }
0x40: {  	_ =	shalt  }
0x41: {  	_ =	shalt  }
0x42: {  	_ =	shalt  }
0x43: {  	_ =	shalt  }
0x44: {  	_ =	shalt  }
0x45: {  	_ =	shalt  }
0x46: {  	_ =	shalt  }
0x47: {  	_ =	shalt  }
0x48: {  	_ =	shalt  }
0x49: {  	_ =	shalt  }
0x4a: {  	_ =	shalt  }
0x4b: {  	_ =	shalt  }
0x4c: {  	_ =	shalt  }
0x4d: {  	_ =	shalt  }
0x4e: {  	_ =	shalt  }
0x4f: {  	_ =	shalt  }
0x50: {  	_ =	shalt  }
0x51: {  	_ =	shalt  }
0x52: {  	_ =	shalt  }
0x53: {  	_ =	shalt  }
0x54: {  	_ =	shalt  }
0x55: {  	_ =	shalt  }
0x56: {  	_ =	shalt  }
0x57: {  	_ =	shalt  }
0x58: {  	_ =	shalt  }
0x59: {  	_ =	shalt  }
0x5a: {  	_ =	shalt  }
0x5b: {  	_ =	shalt  }
0x5c: {  	_ =	shalt  }
0x5d: {  	_ =	shalt  }
0x5e: {  	_ =	shalt  }
0x5f: {  	_ =	shalt  }
0x60: {  	_ =	shalt  }
0x61: {  	_ =	shalt  }
0x62: {  	_ =	shalt  }
0x63: {  	_ =	shalt  }
0x64: {  	_ =	shalt  }
0x65: {  	_ =	shalt  }
0x66: {  	_ =	shalt  }
0x67: {  	_ =	shalt  }
0x68: {  	_ =	shalt  }
0x69: {  	_ =	shalt  }
0x6a: {  	_ =	shalt  }
0x6b: {  	_ =	shalt  }
0x6c: {  	_ =	shalt  }
0x6d: {  	_ =	shalt  }
0x6e: {  	_ =	shalt  }
0x6f: {  	_ =	shalt  }
0x70: {  	_ =	shalt  }
0x71: {  	_ =	shalt  }
0x72: {  	_ =	shalt  }
0x73: {  	_ =	shalt  }
0x74: {  	_ =	shalt  }
0x75: {  	_ =	shalt  }
0x76: {  	_ =	shalt  }
0x77: {  	_ =	shalt  }
0x78: {  	_ =	shalt  }
0x79: {  	_ =	shalt  }
0x7a: {  	_ =	shalt  }
0x7b: {  	_ =	shalt  }
0x7c: {  	_ =	shalt  }
0x7d: {  	_ =	shalt  }
0x7e: {  	_ =	shalt  }
0x7f: {  	_ =	shalt  }
0x80: {  	_ =	shalt  }
0x81: {  	_ =	shalt  }
0x82: {  	_ =	shalt  }
0x83: {  	_ =	shalt  }
0x84: {  	_ =	shalt  }
0x85: {  	_ =	shalt  }
0x86: {  	_ =	shalt  }
0x87: {  	_ =	shalt  }
.Lfunc_end0:
.L_simem_size_0:
called_computation_lowered:
.L_overlay_start_0:
0x88: {  	s2 =	sld [smem:$0x3FD9]  }
0x89: {  	s3 =	sld [smem:$0x3FFE];
	_ =	sdelay $0x1  }
0x8a: {  	s1 =	srdreg.scid  }
0x8b: {  	s0 =	sand.u32 $0x1, s1  }
0x8c: {  	s17 =	sshll.u32 s0, $0xA;
	s2 =	sadd.s32 s3, s2  }
0x8d: {  	s2 =	sadd.s32 s2, s17  }
0x8e: {  	[smem:$0x3FBC] =	sst s2  }
0x8f: {  	_ = 	snop  }
0x90: {  	s2 =	sld [smem:$0x3FC9]  }
0x91: {  	s18 =	sld [smem:$0x3FD0];
	(tm) =	ssettm $0x1  }
0x92: {  	s4 =	sld [smem:$0x3FFB];
	_ =	sdelay $0x3  }
0x93: {  	_ =	strace s4  }
0x94: {  	s4 =	sld [smem:$0x3FFC];
	_ =	sdelay $0x3  }
0x95: {  	_ =	strace s4  }
0x96: {  	s4 =	sld [smem:$0x3FFD];
	_ =	sdelay $0x3  }
0x97: {  	_ =	strace s4  }
0x98: {  	_ =	strace $0x8FFFFFFF  }
0x99: {  	s19 =	sld [smem:$0x3FDB];
	_ =	sdelay $0x1  }
0x9a: {  	s5 =	simm.s32 $_scs_section_size  }
0x9b: {  	s6 =	simm.s32 $_size__tile_overlayer_lowered;
	s7 =	simm.s32 $_tile_overlayer_lowered  }
0x9c: {  	s22 =	simm.s32 $0x1BFF;
	s21 =	sshll.u32 s7, $0x1;
	s4 =	sadd.s32 s5, s19  }
0x9d: {  	s8 =	simm.s32 $0x0;
	s20 =	sshll.u32 s6, $0x1;
	s6 =	sadd.s32 s21, s4  }
0x9e: {  	[timem:s8], [sflag:s22] =	dma.local [hbm:s6], s20  }
0x9f: {  	_ =	swait.ge [sflag:s22], s20  }
0xa0: {  	s5 =	ssub.s32 $0x0, s20;
	[sflag:s22] =	ssyncset.done $0x0  }
0xa1: {  	[sflag:s22] =	ssyncadd.s32 s5;
	_ =	sdelay $0x1  }
0xa2: {  	s23 =	simm.s32 $0x1B8B  }
0xa3: {  	_ =	swait.ge [sflag:s23], $0x1  }
0xa4: {  	[sflag:s23] =	ssyncset.done $0x0  }
0xa5: {  	s25 =	simm.s32 $0x1B8E;
	s24 =	sld [smem:$0x3FFE];
	[sflag:s23] =	ssyncadd.s32 $0xFFFFFFFF  }
0xa6: {  	s26 =	simm.s32 $execute0_lowered;
	[smem:$0x3FD2] =	sst s25  }
0xa7: {  	s6 =	sshll.u32 s26, $0x1;
	_ =	strace $0x80000046;
	[dreg:$0x1] =	wrdreg $0xFFFFFFFF  }
0xa8: {  	s28 =	simm.s32 $_size_execute0_lowered;
	s4 =	sadd.s32 s4, s6;
	[dreg:$0x0] =	wrdreg $0x0  }
0xa9: {  	s6 =	sshll.u32 s28, $0x1;
	[dreg:$0x2] =	wrdreg s4  }
0xaa: {  	[dreg:$0x3] =	wrdreg s6  }
0xab: {  	[dreg:$0x4] =	wrdreg $0xC0  }
0xac: {  	_ =	task [dreg:s8], $0x5FFFF  }
0xad: {  	[dreg:$0x1] =	wrdreg $0xFFFFFFFF  }
0xae: {  	[dreg:$0x0] =	wrdreg $0x60  }
0xaf: {  	[dreg:$0x2] =	wrdreg s2  }
0xb0: {  	[dreg:$0x3] =	wrdreg s24  }
0xb1: {  	[dreg:$0x4] =	wrdreg s18  }
0xb2: {  	[dreg:$0x5] =	wrdreg $0x8A200  }
0xb3: {  	[dreg:$0x6] =	wrdreg $0x1C5200  }
0xb4: {  	[dreg:$0x7] =	wrdreg $0x9  }
0xb5: {  	_ =	task.clear_ibuf [dreg:s8], $0x8FFFF;
	_ =	strace $0x90000046  }
0xb6: {  	s29 =	simm.s32 $0x9;
	_ =	strace $0x80000048  }
0xb7: {  	_ =	swait.ge [sflag:s29], $0x1  }
0xb8: {  	[sflag:s29] =	ssyncadd.s32 $0xFFFFFFFF  }
0xb9: {  	_ =	strace $0x90000048  }
0xba: {  	_ =	sfence  }
0xbb: {  	s30 =	sld [smem:$0x0];
	_ =	sdelay $0x2  }
0xbc: {  	s31 =	sshll.u32 s1, $0xD;
	s1 =	sshrl.u32 s1, $0x2  }
0xbd: {  	s3 =	sand.u32 $0x4000, s31;
	s1 =	sadd.s32 s1, s30  }
0xbe: {  	s0 =	sor.u32 s3, s0;
	s1 =	sshll.u32 s1, $0x11  }
0xbf: {  	s0 =	sor.u32 s1, s0  }
0xc0: {  	s0 =	sadd.s32 $0x8F2B, s0  }
0xc1: {  	[sflag:s0] =	ssyncadd.remote.s32 $0x1  }
0xc2: {  	_ =	sfence.sel $0xFFFF  }
0xc3: {  	[dreg:$0x0] =	wrdreg $0xFFFFFFFF;
	(pc) =	sbr.abs _section_cstart, $3  }
0xc4: {  	[dreg:$0x1] =	wrdreg $0xFFFFFFFF  }
0xc5: {  	_ =	task.clear_ibuf [dreg:s8], $0x2FFFF;
	_ =	strace $0x9FFFFFFF  }
0xc6: {  	(tm) =	ssettm $0x7FFFFFFF  }
0xc7: {  	_ =	shalt  }
tec
execute0_lowered:
.L_overlay_start_1:
0x0: {  	(tag) =	ssettag $0x1  }
0x1: {  	s0 =	rddreg [dreg:$0x0]  }
0x2: {  	s2 =	rddreg [dreg:$0x1]  }
0x3: {  	s3 =	rddreg [dreg:$0x2];
	s4 =	srdreg.scid  }
0x4: {  	s1 =	rddreg [dreg:$0x3];
	s16 =	stileid.u32  }
0x5: {  	s5 =	simm.s32 $0x0;
	s28 =	simm.s32 $0x6220;
	s30 =	simm.s32 $0x7620  }
0x6: {  	s31 =	simm.s32 $0x1;
	s29 =	simm.s32 $0x5;
	s8 =	smul.u32 $0x2710, s16  }
0x7: {  	s6 =	sand.u32 $0x1, s4;
	s4 =	rddreg [dreg:$0x4];
	s9 =	smul.u32 $0x13800, s16  }
0x8: {  	[smem:$0x7FF] =	sst s5;
	s10 =	smul.u32 $0x2700, s16;
	s15 =	sadd.s32 $0x42800, s2  }
0x9: {  	s24 =	sadd.s32 $0x42A00, s2;
	s18 =	sadd.s32 $0x138000, s1;
	s20 =	sadd.s32 $0x3D600, s2  }
0xa: {  	p0 =	sne.s32 s16, $0x0;
	_ =	strace $0x80000047;
	[dreg:$0x6] =	wrdreg s15  }
0xb: {  	s7 =	smul.u32 $0x27100, s6;
	s13 =	ssub.s32 $0x2, s6;
	[dreg:$0xd] =	wrdreg s18  }
0xc: {  	s6 =	smul.u32 $0x138800, s6;
	[dreg:$0xe] =	wrdreg s20;
	s21 =	sadd.s32 $0x27000, s4  }
0xd: {  	s11 =	sshrl.u32 s9, $0x3;
	s12 =	sshrl.u32 s10, $0x3;
	s14 =	sshrl.u32 s13, $0x1  }
0xe: {  	s26 =	sadd.s32 s9, s1;
	[dreg:$0xf] =	wrdreg s21;
	s8 =	sadd.s32 s8, s7  }
0xf: {  	s11 =	sadd.s32 s11, s2;
	s12 =	sadd.s32 s12, s2;
	s13 =	ssub.s32 s13, s14  }
0x10: {  	[dreg:$0x9] =	wrdreg s26;
	s14 =	sadd.s32 s10, s4;
	s19 =	sadd.s32 s9, s6  }
0x11: {  	s23 =	sadd.s32 s10, s7;
	s6 =	sshrl.u32 s6, $0x3;
	s7 =	sshrl.u32 s7, $0x3  }
0x12: {  	s9 =	simm.s32 $0x9;
	s8 =	sshrl.u32 s8, $0x3;
	s11 =	sadd.s32 $0x16600, s11  }
0x13: {  	[dreg:$0xb] =	wrdreg s14;
	s17 =	sadd.s32 $0x3D800, s12;
	s26 =	smax.u32 s13, $0x1  }
0x14: {  	s12 =	simm.s32 $0x4DD0;
	s13 =	simm.s32 $0x4DF8;
	[dreg:$0xa] =	wrdreg s11  }
0x15: {  	s14 =	simm.s32 $0x0;
	s8 =	sadd.s32 s8, s2;
	[dreg:$0xc] =	wrdreg s17  }
0x16: {  	s2 =	sadd.s32 $0x42600, s2;
	[dreg:$0x15] =	wrdreg s26;
	s26 =	simm.s32 $0x4E20  }
0x17: {  	s11 =	simm.s32 $0x4DA8;
	s25 =	sadd.s32 $0x2C00, s8;
	[dreg:$0x10] =	wrdreg s2  }
0x18: {  	s8 =	sadd.s32 $0xC840, s8;
	s2 =	sshrl.u32 s23, $0x3;
	[dreg:$0x7] =	wrdreg s25  }
0x19: {  	s23 =	simm.s32 $0x2;
	[dreg:$0x8] =	wrdreg s8;
	s8 =	sshrl.u32 s19, $0x3  }
0x1a: {  	s2 =	sadd.s32 s3, s2;
	s3 =	sadd.s32 s3, s7;
	s7 =	simm.s32 $0x3  }
0x1b: {  	s22 =	sadd.s32 s24, s8;
	[dreg:$0x12] =	wrdreg s2;
	s24 =	sadd.s32 s24, s6  }
0x1c: {  	s25 =	sadd.s32 $0x4E00, s3;
	s3 =	simm.s32 $0x7;
	s6 =	simm.s32 $0x8  }
0x1d: {  	s8 =	simm.s32 $0x6;
	[dreg:$0x11] =	wrdreg s22;
	s2 =	sadd.s32 $0x27000, s24  }
0x1e: {  	[dreg:$0x14] =	wrdreg s25;
	s22 =	simm.s32 $0xA;
	s24 =	simm.s32 $0x1C2A0  }
0x1f: {  	s25 =	simm.s32 $0x28;
	[dreg:$0x13] =	wrdreg s2;
	s2 =	simm.s32 $0x4  }
.LBB2_1:
0x20: {  	s10 =	rddreg [dreg:$0x7]  }
0x21: {  	[tilespmem:s5], [sflag:$0xA] =	stream.linear.gather [hbm4b:s10+s5], $0x2710, $0x38;
	[tilespmem:$0x1EC30] =	vst v63  }
0x22: {  	_ =	swait.ge [sflag:s22], $0x2710  }
0x23: {  	[sflag:s22] =	ssyncset.done $0x0  }
0x24: {  	s15 =	simm.s32 $0x2710;
	s19 =	rddreg [dreg:$0x8];
	[sflag:s22] =	ssyncadd.s32 $0xFFFFD8F0  }
0x25: {  	[tilespmem:s15], [sflag:$0xA] =	stream.linear.gather [hbm4b:s19+s5], $0x2710, $0x38;
	[tilespmem:$0x1EC30] =	vst v63  }
0x26: {  	_ =	swait.ge [sflag:s22], $0x2710  }
0x27: {  	[sflag:s22] =	ssyncset.done $0x0  }
0x28: {  	s20 =	rddreg [dreg:$0x6];
	[sflag:s22] =	ssyncadd.s32 $0xFFFFD8F0  }
0x29: {  	[tilespmem:s24], [sflag:$0xA] =	stream.linear.gather [hbm4b:s20+s5], $0x280, $0x38;
	[tilespmem:$0x1EC30] =	vst v63  }
0x2a: {  	_ =	swait.ge [sflag:s22], $0x280  }
0x2b: {  	[sflag:s22] =	ssyncset.done $0x0  }
0x2c: {  	s15 =	stileid.u32;
	[sflag:s22] =	ssyncadd.s32 $0xFFFFFD80  }
0x2d: {  	[tilespmem:s26], [sflag:$0x1] =	stream.indirect.gather [hbm4b:s0+s25], $0x80, s5, s25, $0xb8;
	[tilespmem:$0x1EC30] =	vst v63  }
0x2e: {  	s21 =	simm.s32 $0x50;
	s16 =	sshll.u32 s15, $0x6;
	s17 =	rddreg [dreg:$0x9]  }
0x2f: {  	[tilespmem:s28], [sflag:$0x2] =	stream.indirect.gather [hbm4b:s0+s25], $0x80, s25, s25, $0xb8;
	[tilespmem:$0x1EC30] =	vst v63  }
0x30: {  	s15 =	sor.u32 $0x1C0A, s16;
	s18 =	rddreg [dreg:$0xa];
	s16 =	sshrl.u32 s17, $0x3  }
0x31: {  	[tilespmem:s30], [sflag:$0x3] =	stream.indirect.gather [hbm4b:s0+s25], $0x80, s21, s25, $0xb8;
	[tilespmem:$0x1EC30] =	vst v63  }
0x32: {  	[spmem:s16], [sflag:s15] =	dma.local [hbm:s18], $0x2700  }
0x33: {  	_ =	swait.ge [sflag:s22], $0x2700  }
0x34: {  	[sflag:s22] =	ssyncset.done $0x0;
	s19 =	rddreg [dreg:$0xb]  }
0x35: {  	s20 =	rddreg [dreg:$0xc];
	[sflag:s22] =	ssyncadd.s32 $0xFFFFD900;
	s17 =	sshrl.u32 s19, $0x3  }
0x36: {  	[spmem:s17], [sflag:s15] =	dma.local [hbm:s20], $0x4E0  }
0x37: {  	_ =	swait.ge [sflag:s22], $0x4E0  }
0x38: {  	s20 =	simm.s32 @!p0 $0xA;
	[sflag:s22] =	ssyncset.done $0x0;
	s10 =	rddreg [dreg:$0xd]  }
0x39: {  	[sflag:s22] =	ssyncadd.s32 $0xFFFFFB20;
	s18 =	sshrl.u32 @!p0 s10, $0x3;
	s10 =	rddreg [dreg:$0xe]  }
0x3a: {  	[spmem:s18], [sflag:s15] =	dma.local @!p0 [hbm:s10], $0x100  }
0x3b: {  	_ =	swait.ge @!p0 [sflag:s20], $0x100  }
0x3c: {  	[sflag:s20] =	ssyncset.done @!p0 $0x0;
	s10 =	rddreg [dreg:$0xf]  }
0x3d: {  	[sflag:s20] =	ssyncadd.s32 @!p0 $0xFFFFFF00;
	s19 =	sshrl.u32 @!p0 s10, $0x3;
	s10 =	rddreg [dreg:$0x10]  }
0x3e: {  	[spmem:s19], [sflag:s15] =	dma.local @!p0 [hbm:s10], $0x20  }
0x3f: {  	_ =	swait.ge @!p0 [sflag:s20], $0x20  }
0x40: {  	[sflag:s20] =	ssyncset.done @!p0 $0x0  }
0x41: {  	[sflag:s20] =	ssyncadd.s32 @!p0 $0xFFFFFFE0  }
0x42: {  	[bflag:$0x0] =	sbarrier.arrive $0xFFFF  }
0x43: {  	_ =	swait.ge [sflag:s31], $0x1400  }
0x44: {  	[sflag:s31] =	ssyncset.done $0x0  }
0x45: {  	s21 =	simm.s32 $0x2710;
	[sflag:s31] =	ssyncadd.s32 $0xFFFFEC00  }
0x46: {  	[spmem:s1] =	stream.indirect.scatter.add.f32 [tilespmem:s26], [sflag:$0x4], $0x80, s21, s25, $0xb8;
	[tilespmem:$0x1EC30] =	vst v63  }
0x47: {  	_ = 	snop  }
0x48: {  	[spmem:s4] =	stream.indirect.scatter.add.f32 [tilespmem:s24], [sflag:$0x7], $0x10, s21, s25, $0xb8;
	[tilespmem:$0x1EC30] =	vst v63  }
0x49: {  	_ =	swait.ge [sflag:s2], $0x1400  }
0x4a: {  	[sflag:s2] =	ssyncset.done $0x0  }
0x4b: {  	[sflag:s2] =	ssyncadd.s32 $0xFFFFEC00  }
0x4c: {  	_ =	swait.ge [sflag:s3], $0x280  }
0x4d: {  	[sflag:s3] =	ssyncset.done $0x0  }
0x4e: {  	s10 =	simm.s32 $0x78;
	[sflag:s3] =	ssyncadd.s32 $0xFFFFFD80  }
0x4f: {  	[tilespmem:s26], [sflag:$0x1] =	stream.indirect.gather [hbm4b:s0+s25], $0x80, s10, s25, $0xb8;
	[tilespmem:$0x1EC30] =	vst v63  }
0x50: {  	_ =	swait.ge [sflag:s23], $0x1400  }
0x51: {  	[sflag:s23] =	ssyncset.done $0x0  }
0x52: {  	s21 =	simm.s32 $0x2738;
	[sflag:s23] =	ssyncadd.s32 $0xFFFFEC00  }
0x53: {  	[spmem:s1] =	stream.indirect.scatter.add.f32 [tilespmem:s28], [sflag:$0x5], $0x80, s21, s25, $0xb8;
	[tilespmem:$0x1EC30] =	vst v63  }
0x54: {  	_ = 	snop  }
0x55: {  	[spmem:s4] =	stream.indirect.scatter.add.f32 [tilespmem:s24], [sflag:$0x8], $0x10, s21, s25, $0xb8;
	[tilespmem:$0x1EC30] =	vst v63  }
0x56: {  	_ =	swait.ge [sflag:s29], $0x1400  }
0x57: {  	[sflag:s29] =	ssyncset.done $0x0  }
0x58: {  	[sflag:s29] =	ssyncadd.s32 $0xFFFFEC00  }
0x59: {  	_ =	swait.ge [sflag:s6], $0x280  }
0x5a: {  	[sflag:s6] =	ssyncset.done $0x0  }
0x5b: {  	s10 =	simm.s32 $0xA0;
	[sflag:s6] =	ssyncadd.s32 $0xFFFFFD80  }
0x5c: {  	[tilespmem:s28], [sflag:$0x2] =	stream.indirect.gather [hbm4b:s0+s25], $0x80, s10, s25, $0xb8;
	[tilespmem:$0x1EC30] =	vst v63  }
0x5d: {  	_ =	swait.ge [sflag:s7], $0x1400  }
0x5e: {  	[sflag:s7] =	ssyncset.done $0x0  }
0x5f: {  	s21 =	simm.s32 $0x2760;
	[sflag:s7] =	ssyncadd.s32 $0xFFFFEC00  }
0x60: {  	[spmem:s1] =	stream.indirect.scatter.add.f32 [tilespmem:s30], [sflag:$0x6], $0x80, s21, s25, $0xb8;
	[tilespmem:$0x1EC30] =	vst v63  }
0x61: {  	_ = 	snop  }
0x62: {  	[spmem:s4] =	stream.indirect.scatter.add.f32 [tilespmem:s24], [sflag:$0x9], $0x10, s21, s25, $0xb8;
	[tilespmem:$0x1EC30] =	vst v63  }
0x63: {  	_ =	swait.ge [sflag:s8], $0x1400  }
0x64: {  	[sflag:s8] =	ssyncset.done $0x0  }
0x65: {  	[sflag:s8] =	ssyncadd.s32 $0xFFFFEC00  }
0x66: {  	_ =	swait.ge [sflag:s9], $0x280  }
0x67: {  	[sflag:s9] =	ssyncset.done $0x0  }
0x68: {  	s20 =	simm.s32 $0x1E0;
	s21 =	simm.s32 $0xC8;
	[sflag:s9] =	ssyncadd.s32 $0xFFFFFD80  }
.LBB2_2:
0x69: {  	[tilespmem:s30], [sflag:$0x3] =	stream.indirect.gather [hbm4b:s0+s25], $0x80, s21, s25, $0xb8;
	[tilespmem:$0x1EC30] =	vst v63  }
0x6a: {  	s21 =	smov.u32 s20  }
0x6b: {  	p1 =	sne.s32 s20, $0x97E0;
	s20 =	sadd.s32 $0x1E0, s20;
	_ =	swait.ge [sflag:s31], $0x1400  }
0x6c: {  	s21 =	sshra.s32 s21, $0x2;
	[sflag:s31] =	ssyncset.done $0x0  }
0x6d: {  	s10 =	sadd.s32 $0x2710, s21;
	[sflag:s31] =	ssyncadd.s32 $0xFFFFEC00  }
0x6e: {  	[spmem:s1] =	stream.indirect.scatter.add.f32 [tilespmem:s26], [sflag:$0x4], $0x80, s10, s25, $0xb8;
	[tilespmem:$0x1EC30] =	vst v63  }
0x6f: {  	_ = 	snop  }
0x70: {  	[spmem:s4] =	stream.indirect.scatter.add.f32 [tilespmem:s24], [sflag:$0x7], $0x10, s10, s25, $0xb8;
	[tilespmem:$0x1EC30] =	vst v63  }
0x71: {  	_ =	swait.ge [sflag:s2], $0x1400  }
0x72: {  	[sflag:s2] =	ssyncset.done $0x0  }
0x73: {  	[sflag:s2] =	ssyncadd.s32 $0xFFFFEC00  }
0x74: {  	_ =	swait.ge [sflag:s3], $0x280  }
0x75: {  	[sflag:s3] =	ssyncset.done $0x0  }
0x76: {  	s10 =	sadd.s32 $0x78, s21;
	[sflag:s3] =	ssyncadd.s32 $0xFFFFFD80  }
0x77: {  	[tilespmem:s26], [sflag:$0x1] =	stream.indirect.gather [hbm4b:s0+s25], $0x80, s10, s25, $0xb8;
	[tilespmem:$0x1EC30] =	vst v63  }
0x78: {  	_ =	swait.ge [sflag:s23], $0x1400  }
0x79: {  	[sflag:s23] =	ssyncset.done $0x0  }
0x7a: {  	s10 =	sadd.s32 $0x2738, s21;
	[sflag:s23] =	ssyncadd.s32 $0xFFFFEC00  }
0x7b: {  	[spmem:s1] =	stream.indirect.scatter.add.f32 [tilespmem:s28], [sflag:$0x5], $0x80, s10, s25, $0xb8;
	[tilespmem:$0x1EC30] =	vst v63  }
0x7c: {  	_ = 	snop  }
0x7d: {  	[spmem:s4] =	stream.indirect.scatter.add.f32 [tilespmem:s24], [sflag:$0x8], $0x10, s10, s25, $0xb8;
	[tilespmem:$0x1EC30] =	vst v63  }
0x7e: {  	_ =	swait.ge [sflag:s29], $0x1400  }
0x7f: {  	[sflag:s29] =	ssyncset.done $0x0  }
0x80: {  	[sflag:s29] =	ssyncadd.s32 $0xFFFFEC00  }
0x81: {  	_ =	swait.ge [sflag:s6], $0x280  }
0x82: {  	[sflag:s6] =	ssyncset.done $0x0  }
0x83: {  	s10 =	sadd.s32 $0xA0, s21;
	[sflag:s6] =	ssyncadd.s32 $0xFFFFFD80  }
0x84: {  	[tilespmem:s28], [sflag:$0x2] =	stream.indirect.gather [hbm4b:s0+s25], $0x80, s10, s25, $0xb8;
	[tilespmem:$0x1EC30] =	vst v63  }
0x85: {  	_ =	swait.ge [sflag:s7], $0x1400  }
0x86: {  	[sflag:s7] =	ssyncset.done $0x0  }
0x87: {  	s10 =	sadd.s32 $0x2760, s21;
	[sflag:s7] =	ssyncadd.s32 $0xFFFFEC00  }
0x88: {  	[spmem:s1] =	stream.indirect.scatter.add.f32 [tilespmem:s30], [sflag:$0x6], $0x80, s10, s25, $0xb8;
	[tilespmem:$0x1EC30] =	vst v63  }
0x89: {  	_ = 	snop  }
0x8a: {  	[spmem:s4] =	stream.indirect.scatter.add.f32 [tilespmem:s24], [sflag:$0x9], $0x10, s10, s25, $0xb8;
	[tilespmem:$0x1EC30] =	vst v63  }
0x8b: {  	_ =	swait.ge [sflag:s8], $0x1400  }
.Ltmp0:
0x8c: {  	[sflag:s8] =	ssyncset.done $0x0;
	(pc) =	sbr.rel @p1 .LBB2_2-.Ltmp0, $4  }
0x8d: {  	[sflag:s8] =	ssyncadd.s32 $0xFFFFEC00  }
0x8e: {  	_ =	swait.ge [sflag:s9], $0x280  }
0x8f: {  	[sflag:s9] =	ssyncset.done $0x0  }
0x90: {  	s21 =	sadd.s32 $0xC8, s21;
	[sflag:s9] =	ssyncadd.s32 $0xFFFFFD80  }
0x91: {  	[tilespmem:s30], [sflag:$0x3] =	stream.indirect.gather [hbm4b:s0+s25], $0x80, s21, s25, $0xb8;
	[tilespmem:$0x1EC30] =	vst v63  }
0x92: {  	_ =	swait.ge [sflag:s31], $0x1400  }
0x93: {  	[sflag:s31] =	ssyncset.done $0x0  }
0x94: {  	s10 =	simm.s32 $0x4D80;
	[sflag:s31] =	ssyncadd.s32 $0xFFFFEC00  }
0x95: {  	[spmem:s1] =	stream.indirect.scatter.add.f32 [tilespmem:s26], [sflag:$0x4], $0x80, s10, s25, $0xb8;
	[tilespmem:$0x1EC30] =	vst v63  }
0x96: {  	_ = 	snop  }
0x97: {  	[spmem:s4] =	stream.indirect.scatter.add.f32 [tilespmem:s24], [sflag:$0x7], $0x10, s10, s25, $0xb8;
	[tilespmem:$0x1EC30] =	vst v63  }
0x98: {  	_ =	swait.ge [sflag:s2], $0x1400  }
0x99: {  	[sflag:s2] =	ssyncset.done $0x0  }
0x9a: {  	[sflag:s2] =	ssyncadd.s32 $0xFFFFEC00  }
0x9b: {  	_ =	swait.ge [sflag:s3], $0x280  }
0x9c: {  	[sflag:s3] =	ssyncset.done $0x0  }
0x9d: {  	s20 =	simm.s32 $0x26E8;
	[sflag:s3] =	ssyncadd.s32 $0xFFFFFD80  }
0x9e: {  	[tilespmem:s26], [sflag:$0x1] =	stream.indirect.gather [hbm4b:s0+s25], $0x80, s20, s25, $0xb8;
	[tilespmem:$0x1EC30] =	vst v63  }
0x9f: {  	_ =	swait.ge [sflag:s23], $0x1400  }
0xa0: {  	[sflag:s23] =	ssyncset.done $0x0  }
0xa1: {  	[sflag:s23] =	ssyncadd.s32 $0xFFFFEC00  }
0xa2: {  	[spmem:s1] =	stream.indirect.scatter.add.f32 [tilespmem:s28], [sflag:$0x5], $0x80, s11, s25, $0xb8;
	[tilespmem:$0x1EC30] =	vst v63  }
0xa3: {  	_ = 	snop  }
0xa4: {  	[spmem:s4] =	stream.indirect.scatter.add.f32 [tilespmem:s24], [sflag:$0x8], $0x10, s11, s25, $0xb8;
	[tilespmem:$0x1EC30] =	vst v63  }
0xa5: {  	_ =	swait.ge [sflag:s7], $0x1400  }
0xa6: {  	[sflag:s7] =	ssyncset.done $0x0  }
0xa7: {  	[sflag:s7] =	ssyncadd.s32 $0xFFFFEC00  }
0xa8: {  	[spmem:s1] =	stream.indirect.scatter.add.f32 [tilespmem:s30], [sflag:$0x6], $0x80, s12, s25, $0xb8;
	[tilespmem:$0x1EC30] =	vst v63  }
0xa9: {  	_ = 	snop  }
0xaa: {  	[spmem:s4] =	stream.indirect.scatter.add.f32 [tilespmem:s24], [sflag:$0x9], $0x10, s12, s25, $0xb8;
	[tilespmem:$0x1EC30] =	vst v63  }
0xab: {  	_ =	swait.ge [sflag:s31], $0x1400  }
0xac: {  	[sflag:s31] =	ssyncset.done $0x0  }
0xad: {  	[sflag:s31] =	ssyncadd.s32 $0xFFFFEC00  }
0xae: {  	[spmem:s1] =	stream.indirect.scatter.add.f32 [tilespmem:s26], [sflag:$0x4], $0x80, s13, s25, $0xb8;
	[tilespmem:$0x1EC30] =	vst v63  }
0xaf: {  	_ = 	snop  }
0xb0: {  	[spmem:s4] =	stream.indirect.scatter.add.f32 [tilespmem:s24], [sflag:$0x7], $0x10, s13, s25, $0xb8;
	[tilespmem:$0x1EC30] =	vst v63  }
0xb1: {  	_ =	swait.ge [sflag:s2], $0x1400  }
0xb2: {  	[sflag:s2] =	ssyncset.done $0x0  }
0xb3: {  	[sflag:s2] =	ssyncadd.s32 $0xFFFFEC00  }
0xb4: {  	_ =	swait.ge [sflag:s3], $0x280  }
0xb5: {  	[sflag:s3] =	ssyncset.done $0x0  }
0xb6: {  	[sflag:s3] =	ssyncadd.s32 $0xFFFFFD80  }
0xb7: {  	_ =	swait.ge [sflag:s29], $0x1400  }
0xb8: {  	[sflag:s29] =	ssyncset.done $0x0  }
0xb9: {  	[sflag:s29] =	ssyncadd.s32 $0xFFFFEC00  }
0xba: {  	_ =	swait.ge [sflag:s6], $0x280  }
0xbb: {  	[sflag:s6] =	ssyncset.done $0x0  }
0xbc: {  	[sflag:s6] =	ssyncadd.s32 $0xFFFFFD80  }
0xbd: {  	_ =	swait.ge [sflag:s8], $0x1400  }
0xbe: {  	[sflag:s8] =	ssyncset.done $0x0  }
0xbf: {  	[sflag:s8] =	ssyncadd.s32 $0xFFFFEC00  }
0xc0: {  	_ =	swait.ge [sflag:s9], $0x280  }
0xc1: {  	[sflag:s9] =	ssyncset.done $0x0  }
0xc2: {  	[sflag:s9] =	ssyncadd.s32 $0xFFFFFD80  }
0xc3: {  	[bflag:$0x0] =	sbarrier.arrive $0xFFFF  }
0xc4: {  	s21 =	rddreg [dreg:$0x11]  }
0xc5: {  	[hbm:s21], [sflag:s15] =	dma.local [spmem:s16], $0x2700  }
0xc6: {  	_ =	swait.ge [sflag:s22], $0x2700  }
0xc7: {  	[sflag:s22] =	ssyncset.done $0x0  }
0xc8: {  	s20 =	rddreg [dreg:$0x12];
	[sflag:s22] =	ssyncadd.s32 $0xFFFFD900  }
0xc9: {  	[hbm:s20], [sflag:s15] =	dma.local [spmem:s17], $0x4E0  }
0xca: {  	_ =	swait.ge [sflag:s22], $0x4E0  }
0xcb: {  	[sflag:s22] =	ssyncset.done $0x0  }
0xcc: {  	s10 =	rddreg [dreg:$0x13];
	[sflag:s22] =	ssyncadd.s32 $0xFFFFFB20  }
0xcd: {  	[hbm:s10], [sflag:s15] =	dma.local @!p0 [spmem:s18], $0x100  }
0xce: {  	s10 =	simm.s32 @!p0 $0xA  }
0xcf: {  	_ =	swait.ge @!p0 [sflag:s10], $0x100  }
0xd0: {  	[sflag:s10] =	ssyncset.done @!p0 $0x0  }
0xd1: {  	s16 =	rddreg [dreg:$0x14];
	[sflag:s10] =	ssyncadd.s32 @!p0 $0xFFFFFF00  }
0xd2: {  	[hbm:s16], [sflag:s15] =	dma.local @!p0 [spmem:s19], $0x20  }
0xd3: {  	_ =	swait.ge @!p0 [sflag:s10], $0x20  }
0xd4: {  	s14 =	sadd.s32 $0x1, s14;
	s21 =	rddreg [dreg:$0x15]  }
0xd5: {  	p1 =	sne.s32 s14, s21  }
.Ltmp1:
0xd6: {  	_ = 	snop;
	(pc) =	sbr.rel @p1 .LBB2_1-.Ltmp1, $3  }
0xd7: {  	_ =	sdelay $0x1  }
0xd8: {  	[sflag:s10] =	ssyncset.done @!p0 $0x0  }
0xd9: {  	[sflag:s10] =	ssyncadd.s32 @!p0 $0xFFFFFFE0  }
0xda: {  	_ =	sfence.sel $0x180000  }
0xdb: {  	[bflag:$0x0] =	sbarrier.arrive $0xFFFF  }
0xdc: {  	_ =	strace $0x90000047  }
0xdd: {  	[bflag:$0x2] =	sbarrier.arrive $0xFFFF  }
0xde: {  	s0 =	rddreg [dreg:$0x5]  }
0xdf: {  	s0 =	sadd.s32 @!p0 $0x100000, s0  }
0xe0: {  	[sflag:s0] =	ssyncadd.tile.s32 @!p0 $0x1;
	_ =	shalt  }
.Lfunc_end2:
_tile_overlayer_lowered:
.L_overlay_start_2:
0xe1: {  	(tag) =	ssettag $0x2  }
0xe2: {  	s0 =	rddreg [dreg:$0x0];
	s2 =	stileid.u32  }
0xe3: {  	s1 =	rddreg [dreg:$0x1];
	p0 =	sne.s32 s2, $0x0  }
0xe4: {  	s3 =	rddreg [dreg:$0x2];
	[bflag:$0x3] =	sbarrier.arrive $0xFFFF;
	s2 =	simm.s32 @!p0 $0x1C0A  }
0xe5: {  	[timem:s3], [sflag:s2] =	dma.local @!p0 [hbm:s0], s1  }
0xe6: {  	s0 =	simm.s32 @!p0 $0xA  }
0xe7: {  	_ =	swait.ge @!p0 [sflag:s0], s1  }
0xe8: {  	s1 =	ssub.s32 @!p0 $0x0, s1;
	[sflag:s0] =	ssyncset.done @!p0 $0x0  }
0xe9: {  	[sflag:s0] =	ssyncadd.s32 @!p0 s1  }
0xea: {  	[bflag:$0x3] =	sbarrier.arrive $0xFFFF  }
0xeb: {  	_ =	shalt  }

// kernel: kernel.9.cloned.1.call-start
scs
__scs_entry_jumppad:
0x0: {  	(pc) =	sbr.rel $0x88, $3  }
0x1: {  	(tag) =	ssettag $0x0;
	lr =	simm.s32 $0x1  }
0x2: {  	[smem:$0x3F95] =	sst lr;
	_ =	strace $0xD0000000  }
0x3: {  	_ = 	snop  }
0x4: {  	_ = 	snop  }
0x5: {  	_ = 	snop  }
0x6: {  	_ = 	snop  }
0x7: {  	_ = 	snop  }
__scs_overlays_trampoline_lowered:
0x8: {  	[smem:$0x3FA4] =	sst s0  }
0x9: {  	[smem:$0x3FA5] =	sst s1  }
0xa: {  	[smem:$0x3FA6] =	sst s2  }
0xb: {  	[smem:$0x3FA7] =	sst s3  }
0xc: {  	[smem:$0x3FA8] =	sst s4  }
0xd: {  	[smem:$0x3FA9] =	sst s5  }
0xe: {  	[smem:$0x3FAA] =	sst s6  }
0xf: {  	[smem:$0x3FAB] =	sst s7  }
0x10: {  	[smem:$0x3FAC] =	sst s8  }
0x11: {  	[smem:$0x3FAD] =	sst s9;
	s0 =	simm.s32 @!p0 $0x0  }
0x12: {  	s1 =	sld [smem:$0x3F93];
	s0 =	simm.s32 @p0 $0x1  }
0x13: {  	[smem:$0x3FAE] =	sst s0;
	s0 =	simm.s32 @!p1 $0x0  }
0x14: {  	s2 =	sld [smem:$0x3F92];
	s0 =	simm.s32 @p1 $0x1  }
0x15: {  	[smem:$0x3FAF] =	sst s0;
	s0 =	simm.s32 @!p2 $0x0  }
0x16: {  	s3 =	sld [smem:$0x3FDB];
	s0 =	simm.s32 @p2 $0x1  }
0x17: {  	s4 =	simm.s32 $0x1BF5;
	[smem:$0x3FB1] =	sst s0  }
0x18: {  	s0 =	sld [smem:$0x3F94];
	_ =	swait.ge [sflag:s4], $0x0  }
0x19: {  	s7 =	sld [smem:$0x3F95]  }
0x1a: {  	s8 =	sadd.s32 $0xFFFFE003, lr  }
0x1b: {  	s9 =	sadd.s32 $0xFFFFFEF7, lr;
	s5 =	simm.s32 $0xFFFFFFFF;
	p2 =	slt.u32 s8, $0xFFFFF086  }
0x1c: {  	p1 =	slt.u32 s9, $0xF7A;
	s5 =	simm.s32 @!p2 $0x0  }
0x1d: {  	s5 =	simm.s32 @p1 $0x1;
	p0 =	seq.s32 s7, s2  }
0x1e: {  	s7 =	smul.u32 @!p0 $0xF7A, s2;
	p2 =	seq.s32 @!p0 s5, $0x0  }
0x1f: {  	s9 =	smul.u32 $0xF7A, s1;
	s8 =	simm.s32 @!p0 $0x1BF5;
	p2 =	por !p2, p0  }
0x20: {  	[sflag:s8] =	ssyncset.s32 @!p0 $0xFFFFF086;
	s6 =	sadd.s32 @!p0 s3, s7;
	s7 =	simm.s32 @!p0 $0x108  }
0x21: {  	s3 =	sadd.s32 s3, s9;
	s6 =	sadd.s32 @!p0 $0x88, s6;
	s7 =	simm.s32 @p2 $0x1082  }
0x22: {  	[simem:s7], [sflag:s8] =	dma.local @!p0 [hbm:s6], $0xF7A  }
0x23: {  	s9 =	sor.u32 $0xD0000000, s2;
	s6 =	simm.s32 $0x108;
	_ =	swait.ge @!p0 [sflag:s8], $0x0  }
0x24: {  	s3 =	sadd.s32 $0x88, s3;
	s6 =	simm.s32 @!p1 $0x1082;
	[sflag:s4] =	ssyncset.s32 $0xFFFFF086  }
0x25: {  	[simem:s6], [sflag:s4] =	dma.local [hbm:s3], $0xF7A  }
0x26: {  	[smem:$0x3F95] =	sst s1;
	(tag) =	ssettag s2;
	_ =	strace s9  }
0x27: {  	s1 =	sld [smem:$0x3FA5]  }
0x28: {  	s2 =	sld [smem:$0x3FA6]  }
0x29: {  	s4 =	sld [smem:$0x3FA8]  }
0x2a: {  	p0 =	seq.s32 s5, $0x0;
	s5 =	sld [smem:$0x3FA9]  }
0x2b: {  	s6 =	sld [smem:$0x3FAA]  }
0x2c: {  	s7 =	sld [smem:$0x3FAB]  }
0x2d: {  	s3 =	simm.s32 $0x108;
	s8 =	sld [smem:$0x3FAC]  }
0x2e: {  	s3 =	simm.s32 @!p0 $0x1082;
	s9 =	sld [smem:$0x3FAD]  }
0x2f: {  	lr =	sadd.s32 s0, s3;
	s0 =	sld [smem:$0x3FA4]  }
0x30: {  	s3 =	sld [smem:$0x3FA7]  }
0x31: {  	[smem:$0x3FB0] =	sst s10  }
0x32: {  	s10 =	sld [smem:$0x3FAE];
	_ =	sdelay $0x3  }
0x33: {  	p0 =	seq.s32 s10, $0x1;
	s10 =	sld [smem:$0x3FB0];
	_ =	sdelay $0x3  }
0x34: {  	[smem:$0x3FB0] =	sst s10  }
0x35: {  	s10 =	sld [smem:$0x3FAF];
	_ =	sdelay $0x3  }
0x36: {  	p1 =	seq.s32 s10, $0x1;
	s10 =	sld [smem:$0x3FB0];
	_ =	sdelay $0x3  }
0x37: {  	[smem:$0x3FB0] =	sst s10  }
0x38: {  	s10 =	sld [smem:$0x3FB1]  }
0x39: {  	_ = 	snop;
	(pc) =	sbr.ind lr, $3  }
0x3a: {  	_ = 	snop  }
0x3b: {  	_ = 	snop  }
0x3c: {  	p2 =	seq.s32 s10, $0x1;
	s10 =	sld [smem:$0x3FB0]  }
0x3d: {  	_ =	shalt  }
0x3e: {  	_ =	shalt  }
0x3f: {  	_ =	shalt  }
0x40: {  	_ =	shalt  }
0x41: {  	_ =	shalt  }
0x42: {  	_ =	shalt  }
0x43: {  	_ =	shalt  }
0x44: {  	_ =	shalt  }
0x45: {  	_ =	shalt  }
0x46: {  	_ =	shalt  }
0x47: {  	_ =	shalt  }
0x48: {  	_ =	shalt  }
0x49: {  	_ =	shalt  }
0x4a: {  	_ =	shalt  }
0x4b: {  	_ =	shalt  }
0x4c: {  	_ =	shalt  }
0x4d: {  	_ =	shalt  }
0x4e: {  	_ =	shalt  }
0x4f: {  	_ =	shalt  }
0x50: {  	_ =	shalt  }
0x51: {  	_ =	shalt  }
0x52: {  	_ =	shalt  }
0x53: {  	_ =	shalt  }
0x54: {  	_ =	shalt  }
0x55: {  	_ =	shalt  }
0x56: {  	_ =	shalt  }
0x57: {  	_ =	shalt  }
0x58: {  	_ =	shalt  }
0x59: {  	_ =	shalt  }
0x5a: {  	_ =	shalt  }
0x5b: {  	_ =	shalt  }
0x5c: {  	_ =	shalt  }
0x5d: {  	_ =	shalt  }
0x5e: {  	_ =	shalt  }
0x5f: {  	_ =	shalt  }
0x60: {  	_ =	shalt  }
0x61: {  	_ =	shalt  }
0x62: {  	_ =	shalt  }
0x63: {  	_ =	shalt  }
0x64: {  	_ =	shalt  }
0x65: {  	_ =	shalt  }
0x66: {  	_ =	shalt  }
0x67: {  	_ =	shalt  }
0x68: {  	_ =	shalt  }
0x69: {  	_ =	shalt  }
0x6a: {  	_ =	shalt  }
0x6b: {  	_ =	shalt  }
0x6c: {  	_ =	shalt  }
0x6d: {  	_ =	shalt  }
0x6e: {  	_ =	shalt  }
0x6f: {  	_ =	shalt  }
0x70: {  	_ =	shalt  }
0x71: {  	_ =	shalt  }
0x72: {  	_ =	shalt  }
0x73: {  	_ =	shalt  }
0x74: {  	_ =	shalt  }
0x75: {  	_ =	shalt  }
0x76: {  	_ =	shalt  }
0x77: {  	_ =	shalt  }
0x78: {  	_ =	shalt  }
0x79: {  	_ =	shalt  }
0x7a: {  	_ =	shalt  }
0x7b: {  	_ =	shalt  }
0x7c: {  	_ =	shalt  }
0x7d: {  	_ =	shalt  }
0x7e: {  	_ =	shalt  }
0x7f: {  	_ =	shalt  }
0x80: {  	_ =	shalt  }
0x81: {  	_ =	shalt  }
0x82: {  	_ =	shalt  }
0x83: {  	_ =	shalt  }
0x84: {  	_ =	shalt  }
0x85: {  	_ =	shalt  }
0x86: {  	_ =	shalt  }
0x87: {  	_ =	shalt  }
.Lfunc_end0:
.L_simem_size_0:
called_computation.1_lowered:
.L_overlay_start_0:
0x88: {  	s2 =	sld [smem:$0x3FD9]  }
0x89: {  	s3 =	sld [smem:$0x3FFE];
	_ =	sdelay $0x1  }
0x8a: {  	s1 =	srdreg.scid  }
0x8b: {  	s0 =	sand.u32 $0x1, s1  }
0x8c: {  	s16 =	sshll.u32 s0, $0xA;
	s2 =	sadd.s32 s3, s2  }
0x8d: {  	s2 =	sadd.s32 s2, s16  }
0x8e: {  	[smem:$0x3FBC] =	sst s2  }
0x8f: {  	_ = 	snop  }
0x90: {  	(tm) =	ssettm $0x1  }
0x91: {  	s17 =	sld [smem:$0x3FFB];
	_ =	sdelay $0x3  }
0x92: {  	_ =	strace s17  }
0x93: {  	s2 =	sld [smem:$0x3FFC];
	_ =	sdelay $0x3  }
0x94: {  	_ =	strace s2  }
0x95: {  	s2 =	sld [smem:$0x3FFD];
	_ =	sdelay $0x3  }
0x96: {  	_ =	strace s2  }
0x97: {  	_ =	strace $0x8FFFFFFF  }
0x98: {  	s18 =	sld [smem:$0x3FDB];
	_ =	sdelay $0x1  }
0x99: {  	s19 =	simm.s32 $_scs_section_size  }
0x9a: {  	s4 =	simm.s32 $_size__tile_overlayer_lowered;
	s5 =	simm.s32 $_tile_overlayer_lowered  }
0x9b: {  	s22 =	simm.s32 $0x1BFF;
	s21 =	sshll.u32 s5, $0x1;
	s2 =	sadd.s32 s19, s18  }
0x9c: {  	s6 =	simm.s32 $0x0;
	s20 =	sshll.u32 s4, $0x1;
	s4 =	sadd.s32 s21, s2  }
0x9d: {  	[timem:s6], [sflag:s22] =	dma.local [hbm:s4], s20  }
0x9e: {  	_ =	swait.ge [sflag:s22], s20  }
0x9f: {  	s3 =	ssub.s32 $0x0, s20;
	[sflag:s22] =	ssyncset.done $0x0  }
0xa0: {  	[sflag:s22] =	ssyncadd.s32 s3;
	_ =	sdelay $0x1  }
0xa1: {  	s23 =	simm.s32 $0x1B8B  }
0xa2: {  	_ =	swait.ge [sflag:s23], $0x1  }
0xa3: {  	[sflag:s23] =	ssyncset.done $0x0  }
0xa4: {  	s25 =	simm.s32 $0x1B8E;
	s24 =	sld [smem:$0x3FFE];
	[sflag:s23] =	ssyncadd.s32 $0xFFFFFFFF  }
0xa5: {  	s26 =	simm.s32 $execute0_lowered;
	[smem:$0x3FD2] =	sst s25  }
0xa6: {  	s4 =	sshll.u32 s26, $0x1;
	_ =	strace $0x80000049;
	[dreg:$0x1] =	wrdreg $0xFFFFFFFF  }
0xa7: {  	s28 =	simm.s32 $_size_execute0_lowered;
	s2 =	sadd.s32 s2, s4;
	[dreg:$0x0] =	wrdreg $0x0  }
0xa8: {  	s4 =	sshll.u32 s28, $0x1;
	[dreg:$0x2] =	wrdreg s2  }
0xa9: {  	[dreg:$0x3] =	wrdreg s4  }
0xaa: {  	[dreg:$0x4] =	wrdreg $0xC0  }
0xab: {  	_ =	task [dreg:s6], $0x5FFFF  }
0xac: {  	[dreg:$0x1] =	wrdreg $0xFFFFFFFF  }
0xad: {  	[dreg:$0x0] =	wrdreg $0x60  }
0xae: {  	[dreg:$0x2] =	wrdreg s24  }
0xaf: {  	[dreg:$0x3] =	wrdreg $0xAF000  }
0xb0: {  	[dreg:$0x4] =	wrdreg $0x9  }
0xb1: {  	_ =	task.clear_ibuf [dreg:s6], $0x5FFFF;
	_ =	strace $0x90000049  }
0xb2: {  	s29 =	simm.s32 $0x9;
	_ =	strace $0x8000004B  }
0xb3: {  	_ =	swait.ge [sflag:s29], $0x1  }
0xb4: {  	[sflag:s29] =	ssyncadd.s32 $0xFFFFFFFF  }
0xb5: {  	_ =	strace $0x9000004B  }
0xb6: {  	_ =	sfence  }
0xb7: {  	s30 =	sld [smem:$0x0];
	_ =	sdelay $0x2  }
0xb8: {  	s31 =	sshll.u32 s1, $0xD;
	s1 =	sshrl.u32 s1, $0x2  }
0xb9: {  	s3 =	sand.u32 $0x4000, s31;
	s1 =	sadd.s32 s1, s30  }
0xba: {  	s0 =	sor.u32 s3, s0;
	s1 =	sshll.u32 s1, $0x11  }
0xbb: {  	s0 =	sor.u32 s1, s0  }
0xbc: {  	s0 =	sadd.s32 $0x8F2B, s0  }
0xbd: {  	[sflag:s0] =	ssyncadd.remote.s32 $0x1  }
0xbe: {  	_ =	sfence.sel $0xFFFF  }
0xbf: {  	[dreg:$0x0] =	wrdreg $0xFFFFFFFF;
	(pc) =	sbr.abs _section_cstart, $3  }
0xc0: {  	[dreg:$0x1] =	wrdreg $0xFFFFFFFF  }
0xc1: {  	_ =	task.clear_ibuf [dreg:s6], $0x2FFFF;
	_ =	strace $0x9FFFFFFF  }
0xc2: {  	(tm) =	ssettm $0x7FFFFFFF  }
0xc3: {  	_ =	shalt  }
tec
execute0_lowered:
.L_overlay_start_1:
0x0: {  	(tag) =	ssettag $0x1  }
0x1: {  	s0 =	rddreg [dreg:$0x0];
	s2 =	srdreg.scid  }
0x2: {  	s1 =	rddreg [dreg:$0x1];
	s14 =	stileid.u32;
	s3 =	simm.s32 $0x0  }
0x3: {  	s16 =	simm.s32 $0x64;
	s17 =	simm.s32 $0x5140;
	s19 =	simm.s32 $0x6400  }
0x4: {  	s28 =	simm.s32 $0x6;
	s29 =	simm.s32 $0x2;
	s30 =	simm.s32 $0x7  }
0x5: {  	s31 =	simm.s32 $0x3;
	s15 =	simm.s32 $0x9;
	s18 =	simm.s32 $0x5  }
0x6: {  	s20 =	simm.s32 $0xA;
	s2 =	sand.u32 $0x1, s2;
	s6 =	smul.u32 $0x28A0, s14  }
0x7: {  	[smem:$0x7FF] =	sst s3;
	s7 =	smul.u32 $0x7500, s14;
	s4 =	sadd.s32 $0x2C00, s0  }
0x8: {  	s11 =	sadd.s32 $0x20400, s0;
	s26 =	sadd.s32 $0x75000, s1;
	s10 =	sadd.s32 $0x20200, s0  }
0x9: {  	p0 =	sne.s32 s14, $0x0;
	s14 =	simm.s32 $0xB;
	s5 =	smul.u32 $0x28A00, s2  }
0xa: {  	_ =	strace $0x8000004A;
	s8 =	ssub.s32 $0x2, s2;
	s2 =	smul.u32 $0x75300, s2  }
0xb: {  	[dreg:$0x7] =	wrdreg s26;
	s26 =	simm.s32 $0x1;
	s21 =	sshrl.u32 s7, $0x3  }
0xc: {  	s9 =	sshrl.u32 s8, $0x1;
	s23 =	sadd.s32 s7, s1;
	s5 =	sadd.s32 s6, s5  }
0xd: {  	s6 =	sadd.s32 s21, s0;
	s8 =	ssub.s32 s8, s9;
	[dreg:$0x5] =	wrdreg s23  }
0xe: {  	s25 =	sadd.s32 s7, s2;
	s2 =	sshrl.u32 s2, $0x3;
	s21 =	simm.s32 $0x76C0  }
0xf: {  	s23 =	simm.s32 $0x8980;
	s5 =	sshrl.u32 s5, $0x3;
	s24 =	sadd.s32 $0x11800, s6  }
0x10: {  	s2 =	sadd.s32 s11, s2;
	s13 =	smax.u32 s8, $0x1;
	s5 =	sadd.s32 s5, s0  }
0x11: {  	[dreg:$0x6] =	wrdreg s24;
	s12 =	sadd.s32 $0xEA00, s2;
	s0 =	simm.s32 $0x8  }
0x12: {  	s2 =	simm.s32 $0x4;
	s22 =	sadd.s32 $0x90C00, s5;
	s5 =	sadd.s32 $0x9AE80, s5  }
0x13: {  	s24 =	simm.s32 $0x0;
	[dreg:$0x4] =	wrdreg s5;
	s5 =	sshrl.u32 s25, $0x3  }
0x14: {  	[dreg:$0x3] =	wrdreg s22;
	s25 =	simm.s32 $0x9C40;
	s11 =	sadd.s32 s11, s5  }
.LBB2_1:
0x15: {  	s5 =	rddreg [dreg:$0x3]  }
0x16: {  	[tilespmem:s3], [sflag:$0xB] =	stream.linear.gather [hbm4b:s5+s3], $0x28A0, $0x38;
	[tilespmem:$0x12430] =	vst v63  }
0x17: {  	_ =	swait.ge [sflag:s14], $0x28A0  }
0x18: {  	[sflag:s14] =	ssyncset.done $0x0  }
0x19: {  	s6 =	simm.s32 $0x28A0;
	s22 =	rddreg [dreg:$0x4];
	[sflag:s14] =	ssyncadd.s32 $0xFFFFD760  }
0x1a: {  	[tilespmem:s6], [sflag:$0xB] =	stream.linear.gather [hbm4b:s22+s3], $0x28A0, $0x38;
	[tilespmem:$0x12430] =	vst v63  }
0x1b: {  	_ =	swait.ge [sflag:s14], $0x28A0  }
0x1c: {  	[sflag:s14] =	ssyncset.done $0x0  }
0x1d: {  	[sflag:s14] =	ssyncadd.s32 $0xFFFFD760  }
0x1e: {  	[tilespmem:s17], [sflag:$0x1] =	stream.indirect.gather [hbm4b:s4+s16], $0x30, s3, s16, $0xb8;
	[tilespmem:$0x12430] =	vst v63  }
0x1f: {  	s7 =	simm.s32 $0x68  }
0x20: {  	[tilespmem:s19], [sflag:$0x2] =	stream.indirect.gather [hbm4b:s4+s16], $0x30, s7, s16, $0xb8;
	[tilespmem:$0x12430] =	vst v63  }
0x21: {  	s8 =	simm.s32 $0xD0  }
0x22: {  	[tilespmem:s21], [sflag:$0x3] =	stream.indirect.gather [hbm4b:s4+s16], $0x30, s8, s16, $0xb8;
	[tilespmem:$0x12430] =	vst v63  }
0x23: {  	s9 =	simm.s32 $0x138;
	s6 =	stileid.u32  }
0x24: {  	[tilespmem:s23], [sflag:$0x4] =	stream.indirect.gather [hbm4b:s4+s16], $0x30, s9, s16, $0xb8;
	[tilespmem:$0x12430] =	vst v63  }
0x25: {  	s22 =	simm.s32 $0x1A0;
	s5 =	sshll.u32 s6, $0x6;
	s7 =	rddreg [dreg:$0x5]  }
0x26: {  	[tilespmem:s25], [sflag:$0x5] =	stream.indirect.gather [hbm4b:s4+s16], $0x30, s22, s16, $0xb8;
	[tilespmem:$0x12430] =	vst v63  }
0x27: {  	s8 =	rddreg [dreg:$0x6];
	s22 =	sor.u32 $0x1C0B, s5;
	s5 =	sshrl.u32 s7, $0x3  }
0x28: {  	[spmem:s5], [sflag:s22] =	dma.local [hbm:s8], $0xEA0  }
0x29: {  	_ =	swait.ge [sflag:s14], $0xEA0  }
0x2a: {  	[sflag:s14] =	ssyncset.done $0x0;
	s6 =	rddreg [dreg:$0x7]  }
0x2b: {  	s7 =	simm.s32 @!p0 $0xB;
	[sflag:s14] =	ssyncadd.s32 $0xFFFFF160;
	s6 =	sshrl.u32 @!p0 s6, $0x3  }
0x2c: {  	[spmem:s6], [sflag:s22] =	dma.local @!p0 [hbm:s10], $0x60  }
0x2d: {  	_ =	swait.ge @!p0 [sflag:s7], $0x60  }
0x2e: {  	[sflag:s7] =	ssyncset.done @!p0 $0x0  }
0x2f: {  	[sflag:s7] =	ssyncadd.s32 @!p0 $0xFFFFFFA0  }
0x30: {  	[bflag:$0x0] =	sbarrier.arrive $0xFFFF  }
0x31: {  	_ =	swait.ge [sflag:s26], $0x12C0  }
0x32: {  	[sflag:s26] =	ssyncset.done $0x0  }
0x33: {  	s9 =	simm.s32 $0x28A0;
	[sflag:s26] =	ssyncadd.s32 $0xFFFFED40  }
0x34: {  	[spmem:s1] =	stream.indirect.scatter.add.f32 [tilespmem:s17], [sflag:$0x6], $0x30, s9, s16, $0xb8;
	[tilespmem:$0x12430] =	vst v63  }
0x35: {  	_ =	swait.ge [sflag:s28], $0x12C0  }
0x36: {  	[sflag:s28] =	ssyncset.done $0x0  }
0x37: {  	s8 =	simm.s32 $0x208;
	[sflag:s28] =	ssyncadd.s32 $0xFFFFED40  }
0x38: {  	[tilespmem:s17], [sflag:$0x1] =	stream.indirect.gather [hbm4b:s4+s16], $0x30, s8, s16, $0xb8;
	[tilespmem:$0x12430] =	vst v63  }
0x39: {  	_ =	swait.ge [sflag:s29], $0x12C0  }
0x3a: {  	[sflag:s29] =	ssyncset.done $0x0  }
0x3b: {  	s9 =	simm.s32 $0x2908;
	[sflag:s29] =	ssyncadd.s32 $0xFFFFED40  }
0x3c: {  	[spmem:s1] =	stream.indirect.scatter.add.f32 [tilespmem:s19], [sflag:$0x7], $0x30, s9, s16, $0xb8;
	[tilespmem:$0x12430] =	vst v63  }
0x3d: {  	_ =	swait.ge [sflag:s30], $0x12C0  }
0x3e: {  	[sflag:s30] =	ssyncset.done $0x0  }
0x3f: {  	s8 =	simm.s32 $0x270;
	[sflag:s30] =	ssyncadd.s32 $0xFFFFED40  }
0x40: {  	[tilespmem:s19], [sflag:$0x2] =	stream.indirect.gather [hbm4b:s4+s16], $0x30, s8, s16, $0xb8;
	[tilespmem:$0x12430] =	vst v63  }
0x41: {  	_ =	swait.ge [sflag:s31], $0x12C0  }
0x42: {  	[sflag:s31] =	ssyncset.done $0x0  }
0x43: {  	s9 =	simm.s32 $0x2970;
	[sflag:s31] =	ssyncadd.s32 $0xFFFFED40  }
0x44: {  	[spmem:s1] =	stream.indirect.scatter.add.f32 [tilespmem:s21], [sflag:$0x8], $0x30, s9, s16, $0xb8;
	[tilespmem:$0x12430] =	vst v63  }
0x45: {  	_ =	swait.ge [sflag:s0], $0x12C0  }
0x46: {  	[sflag:s0] =	ssyncset.done $0x0  }
0x47: {  	s8 =	simm.s32 $0x2D8;
	[sflag:s0] =	ssyncadd.s32 $0xFFFFED40  }
0x48: {  	[tilespmem:s21], [sflag:$0x3] =	stream.indirect.gather [hbm4b:s4+s16], $0x30, s8, s16, $0xb8;
	[tilespmem:$0x12430] =	vst v63  }
0x49: {  	_ =	swait.ge [sflag:s2], $0x12C0  }
0x4a: {  	[sflag:s2] =	ssyncset.done $0x0  }
0x4b: {  	s9 =	simm.s32 $0x29D8;
	[sflag:s2] =	ssyncadd.s32 $0xFFFFED40  }
0x4c: {  	[spmem:s1] =	stream.indirect.scatter.add.f32 [tilespmem:s23], [sflag:$0x9], $0x30, s9, s16, $0xb8;
	[tilespmem:$0x12430] =	vst v63  }
0x4d: {  	_ =	swait.ge [sflag:s15], $0x12C0  }
0x4e: {  	[sflag:s15] =	ssyncset.done $0x0  }
0x4f: {  	s8 =	simm.s32 $0x340;
	[sflag:s15] =	ssyncadd.s32 $0xFFFFED40  }
0x50: {  	[tilespmem:s23], [sflag:$0x4] =	stream.indirect.gather [hbm4b:s4+s16], $0x30, s8, s16, $0xb8;
	[tilespmem:$0x12430] =	vst v63  }
0x51: {  	_ =	swait.ge [sflag:s18], $0x12C0  }
0x52: {  	[sflag:s18] =	ssyncset.done $0x0  }
0x53: {  	s9 =	simm.s32 $0x2A40;
	[sflag:s18] =	ssyncadd.s32 $0xFFFFED40  }
0x54: {  	[spmem:s1] =	stream.indirect.scatter.add.f32 [tilespmem:s25], [sflag:$0xA], $0x30, s9, s16, $0xb8;
	[tilespmem:$0x12430] =	vst v63  }
0x55: {  	_ =	swait.ge [sflag:s20], $0x12C0  }
0x56: {  	[sflag:s20] =	ssyncset.done $0x0  }
0x57: {  	s7 =	simm.s32 $0x820;
	s8 =	simm.s32 $0x3A8;
	[sflag:s20] =	ssyncadd.s32 $0xFFFFED40  }
.LBB2_2:
0x58: {  	[tilespmem:s25], [sflag:$0x5] =	stream.indirect.gather [hbm4b:s4+s16], $0x30, s8, s16, $0xb8;
	[tilespmem:$0x12430] =	vst v63  }
0x59: {  	s8 =	smov.u32 s7  }
0x5a: {  	p1 =	sne.s32 s7, $0x9240;
	s7 =	sadd.s32 $0x820, s7;
	_ =	swait.ge [sflag:s26], $0x12C0  }
0x5b: {  	s8 =	sshra.s32 s8, $0x2;
	[sflag:s26] =	ssyncset.done $0x0  }
0x5c: {  	s9 =	sadd.s32 $0x28A0, s8;
	[sflag:s26] =	ssyncadd.s32 $0xFFFFED40  }
0x5d: {  	[spmem:s1] =	stream.indirect.scatter.add.f32 [tilespmem:s17], [sflag:$0x6], $0x30, s9, s16, $0xb8;
	[tilespmem:$0x12430] =	vst v63  }
0x5e: {  	_ =	swait.ge [sflag:s28], $0x12C0  }
0x5f: {  	[sflag:s28] =	ssyncset.done $0x0  }
0x60: {  	s9 =	sadd.s32 $0x208, s8;
	[sflag:s28] =	ssyncadd.s32 $0xFFFFED40  }
0x61: {  	[tilespmem:s17], [sflag:$0x1] =	stream.indirect.gather [hbm4b:s4+s16], $0x30, s9, s16, $0xb8;
	[tilespmem:$0x12430] =	vst v63  }
0x62: {  	_ =	swait.ge [sflag:s29], $0x12C0  }
0x63: {  	[sflag:s29] =	ssyncset.done $0x0  }
0x64: {  	s9 =	sadd.s32 $0x2908, s8;
	[sflag:s29] =	ssyncadd.s32 $0xFFFFED40  }
0x65: {  	[spmem:s1] =	stream.indirect.scatter.add.f32 [tilespmem:s19], [sflag:$0x7], $0x30, s9, s16, $0xb8;
	[tilespmem:$0x12430] =	vst v63  }
0x66: {  	_ =	swait.ge [sflag:s30], $0x12C0  }
0x67: {  	[sflag:s30] =	ssyncset.done $0x0  }
0x68: {  	s9 =	sadd.s32 $0x270, s8;
	[sflag:s30] =	ssyncadd.s32 $0xFFFFED40  }
0x69: {  	[tilespmem:s19], [sflag:$0x2] =	stream.indirect.gather [hbm4b:s4+s16], $0x30, s9, s16, $0xb8;
	[tilespmem:$0x12430] =	vst v63  }
0x6a: {  	_ =	swait.ge [sflag:s31], $0x12C0  }
0x6b: {  	[sflag:s31] =	ssyncset.done $0x0  }
0x6c: {  	s9 =	sadd.s32 $0x2970, s8;
	[sflag:s31] =	ssyncadd.s32 $0xFFFFED40  }
0x6d: {  	[spmem:s1] =	stream.indirect.scatter.add.f32 [tilespmem:s21], [sflag:$0x8], $0x30, s9, s16, $0xb8;
	[tilespmem:$0x12430] =	vst v63  }
0x6e: {  	_ =	swait.ge [sflag:s0], $0x12C0  }
0x6f: {  	[sflag:s0] =	ssyncset.done $0x0  }
0x70: {  	s9 =	sadd.s32 $0x2D8, s8;
	[sflag:s0] =	ssyncadd.s32 $0xFFFFED40  }
0x71: {  	[tilespmem:s21], [sflag:$0x3] =	stream.indirect.gather [hbm4b:s4+s16], $0x30, s9, s16, $0xb8;
	[tilespmem:$0x12430] =	vst v63  }
0x72: {  	_ =	swait.ge [sflag:s2], $0x12C0  }
0x73: {  	[sflag:s2] =	ssyncset.done $0x0  }
0x74: {  	s9 =	sadd.s32 $0x29D8, s8;
	[sflag:s2] =	ssyncadd.s32 $0xFFFFED40  }
0x75: {  	[spmem:s1] =	stream.indirect.scatter.add.f32 [tilespmem:s23], [sflag:$0x9], $0x30, s9, s16, $0xb8;
	[tilespmem:$0x12430] =	vst v63  }
0x76: {  	_ =	swait.ge [sflag:s15], $0x12C0  }
0x77: {  	[sflag:s15] =	ssyncset.done $0x0  }
0x78: {  	s9 =	sadd.s32 $0x340, s8;
	[sflag:s15] =	ssyncadd.s32 $0xFFFFED40  }
0x79: {  	[tilespmem:s23], [sflag:$0x4] =	stream.indirect.gather [hbm4b:s4+s16], $0x30, s9, s16, $0xb8;
	[tilespmem:$0x12430] =	vst v63  }
0x7a: {  	_ =	swait.ge [sflag:s18], $0x12C0  }
0x7b: {  	[sflag:s18] =	ssyncset.done $0x0  }
.Ltmp0:
0x7c: {  	s9 =	sadd.s32 $0x2A40, s8;
	[sflag:s18] =	ssyncadd.s32 $0xFFFFED40;
	(pc) =	sbr.rel @p1 .LBB2_2-.Ltmp0, $4  }
0x7d: {  	[spmem:s1] =	stream.indirect.scatter.add.f32 [tilespmem:s25], [sflag:$0xA], $0x30, s9, s16, $0xb8;
	[tilespmem:$0x12430] =	vst v63  }
0x7e: {  	_ =	swait.ge [sflag:s20], $0x12C0  }
0x7f: {  	[sflag:s20] =	ssyncset.done $0x0  }
0x80: {  	s8 =	sadd.s32 $0x3A8, s8;
	[sflag:s20] =	ssyncadd.s32 $0xFFFFED40  }
0x81: {  	[tilespmem:s25], [sflag:$0x5] =	stream.indirect.gather [hbm4b:s4+s16], $0x30, s8, s16, $0xb8;
	[tilespmem:$0x12430] =	vst v63  }
0x82: {  	_ =	swait.ge [sflag:s26], $0x12C0  }
0x83: {  	[sflag:s26] =	ssyncset.done $0x0  }
0x84: {  	s7 =	simm.s32 $0x4F38;
	[sflag:s26] =	ssyncadd.s32 $0xFFFFED40  }
0x85: {  	[spmem:s1] =	stream.indirect.scatter.add.f32 [tilespmem:s17], [sflag:$0x6], $0x30, s7, s16, $0xb8;
	[tilespmem:$0x12430] =	vst v63  }
0x86: {  	_ =	swait.ge [sflag:s29], $0x12C0  }
0x87: {  	[sflag:s29] =	ssyncset.done $0x0  }
0x88: {  	s8 =	simm.s32 $0x4FA0;
	[sflag:s29] =	ssyncadd.s32 $0xFFFFED40  }
0x89: {  	[spmem:s1] =	stream.indirect.scatter.add.f32 [tilespmem:s19], [sflag:$0x7], $0x30, s8, s16, $0xb8;
	[tilespmem:$0x12430] =	vst v63  }
0x8a: {  	_ =	swait.ge [sflag:s31], $0x12C0  }
0x8b: {  	[sflag:s31] =	ssyncset.done $0x0  }
0x8c: {  	s9 =	simm.s32 $0x5008;
	[sflag:s31] =	ssyncadd.s32 $0xFFFFED40  }
0x8d: {  	[spmem:s1] =	stream.indirect.scatter.add.f32 [tilespmem:s21], [sflag:$0x8], $0x30, s9, s16, $0xb8;
	[tilespmem:$0x12430] =	vst v63  }
0x8e: {  	_ =	swait.ge [sflag:s2], $0x12C0  }
0x8f: {  	[sflag:s2] =	ssyncset.done $0x0  }
0x90: {  	s8 =	simm.s32 $0x5070;
	[sflag:s2] =	ssyncadd.s32 $0xFFFFED40  }
0x91: {  	[spmem:s1] =	stream.indirect.scatter.add.f32 [tilespmem:s23], [sflag:$0x9], $0x30, s8, s16, $0xb8;
	[tilespmem:$0x12430] =	vst v63  }
0x92: {  	_ =	swait.ge [sflag:s18], $0x12C0  }
0x93: {  	[sflag:s18] =	ssyncset.done $0x0  }
0x94: {  	s9 =	simm.s32 $0x50D8;
	[sflag:s18] =	ssyncadd.s32 $0xFFFFED40  }
0x95: {  	[spmem:s1] =	stream.indirect.scatter.add.f32 [tilespmem:s25], [sflag:$0xA], $0x30, s9, s16, $0xb8;
	[tilespmem:$0x12430] =	vst v63  }
0x96: {  	_ =	swait.ge [sflag:s28], $0x12C0  }
0x97: {  	[sflag:s28] =	ssyncset.done $0x0  }
0x98: {  	[sflag:s28] =	ssyncadd.s32 $0xFFFFED40  }
0x99: {  	_ =	swait.ge [sflag:s30], $0x12C0  }
0x9a: {  	[sflag:s30] =	ssyncset.done $0x0  }
0x9b: {  	[sflag:s30] =	ssyncadd.s32 $0xFFFFED40  }
0x9c: {  	_ =	swait.ge [sflag:s0], $0x12C0  }
0x9d: {  	[sflag:s0] =	ssyncset.done $0x0  }
0x9e: {  	[sflag:s0] =	ssyncadd.s32 $0xFFFFED40  }
0x9f: {  	_ =	swait.ge [sflag:s15], $0x12C0  }
0xa0: {  	[sflag:s15] =	ssyncset.done $0x0  }
0xa1: {  	[sflag:s15] =	ssyncadd.s32 $0xFFFFED40  }
0xa2: {  	_ =	swait.ge [sflag:s20], $0x12C0  }
0xa3: {  	[sflag:s20] =	ssyncset.done $0x0  }
0xa4: {  	[sflag:s20] =	ssyncadd.s32 $0xFFFFED40  }
0xa5: {  	[bflag:$0x0] =	sbarrier.arrive $0xFFFF  }
0xa6: {  	[hbm:s11], [sflag:s22] =	dma.local [spmem:s5], $0xEA0  }
0xa7: {  	s24 =	sadd.s32 $0x1, s24;
	_ =	swait.ge [sflag:s14], $0xEA0  }
0xa8: {  	p1 =	sne.s32 s24, s13;
	[sflag:s14] =	ssyncset.done $0x0  }
.Ltmp1:
0xa9: {  	s5 =	simm.s32 @!p0 $0xB;
	[sflag:s14] =	ssyncadd.s32 $0xFFFFF160;
	(pc) =	sbr.rel @p1 .LBB2_1-.Ltmp1, $4  }
0xaa: {  	[hbm:s12], [sflag:s22] =	dma.local @!p0 [spmem:s6], $0x60  }
0xab: {  	_ =	swait.ge @!p0 [sflag:s5], $0x60  }
0xac: {  	[sflag:s5] =	ssyncset.done @!p0 $0x0  }
0xad: {  	[sflag:s5] =	ssyncadd.s32 @!p0 $0xFFFFFFA0  }
0xae: {  	_ =	sfence.sel $0x180000  }
0xaf: {  	[bflag:$0x0] =	sbarrier.arrive $0xFFFF  }
0xb0: {  	_ =	strace $0x9000004A  }
0xb1: {  	[bflag:$0x2] =	sbarrier.arrive $0xFFFF  }
0xb2: {  	s0 =	rddreg [dreg:$0x2]  }
0xb3: {  	s0 =	sadd.s32 @!p0 $0x100000, s0  }
0xb4: {  	[sflag:s0] =	ssyncadd.tile.s32 @!p0 $0x1;
	_ =	shalt  }
.Lfunc_end2:
_tile_overlayer_lowered:
.L_overlay_start_2:
0xb5: {  	(tag) =	ssettag $0x2  }
0xb6: {  	s0 =	rddreg [dreg:$0x0];
	s2 =	stileid.u32  }
0xb7: {  	s1 =	rddreg [dreg:$0x1];
	p0 =	sne.s32 s2, $0x0  }
0xb8: {  	s3 =	rddreg [dreg:$0x2];
	[bflag:$0x3] =	sbarrier.arrive $0xFFFF;
	s2 =	simm.s32 @!p0 $0x1C0B  }
0xb9: {  	[timem:s3], [sflag:s2] =	dma.local @!p0 [hbm:s0], s1  }
0xba: {  	s0 =	simm.s32 @!p0 $0xB  }
0xbb: {  	_ =	swait.ge @!p0 [sflag:s0], s1  }
0xbc: {  	s1 =	ssub.s32 @!p0 $0x0, s1;
	[sflag:s0] =	ssyncset.done @!p0 $0x0  }
0xbd: {  	[sflag:s0] =	ssyncadd.s32 @!p0 s1  }
0xbe: {  	[bflag:$0x3] =	sbarrier.arrive $0xFFFF  }
0xbf: {  	_ =	shalt  }

</sc_bundles>
